<compile_context>
chip_gen: v7x
topology: tpu7x:2x2x1
jax: 0.10.2.dev20260603
libtpu: 0.0.44.dev20260713+nightly
codegen_flags: <defaults>
</compile_context>

<pallas_src>
import functools

import jax
import jax.numpy as jnp
from jax import lax
from jax.experimental import pallas as pl
from jax.experimental.pallas import tpu as pltpu
from jax.experimental.pallas import tpu_sc as plsc

H = 128
N = 10000
E = 320000

NC = 2
NS = 16
LANE = 128
CPT = 8 * -(-E // (8 * NS * LANE))
KCH = 40
EPAD = NS * LANE * CPT
C = EPAD // LANE
N_ACC = 10240
RPT = N_ACC // NS
ADT = jnp.float32



def _sc_body(table, srcs, dsts, zeros, out,
             srcblk, dstblk, rows0, rows1, acc, sem0, sem1):
    c = lax.axis_index("c")
    s = lax.axis_index("s")
    row0 = s * RPT
    pltpu.sync_copy(zeros.at[pl.ds(row0, RPT)], acc.at[pl.ds(row0, RPT)])
    plsc.subcore_barrier()

    def blk(b, carry):
        base = s * CPT + b * KCH
        pltpu.sync_copy(srcs.at[c, pl.ds(base, KCH)], srcblk)
        pltpu.sync_copy(dsts.at[pl.ds(base, KCH)], dstblk)
        pltpu.async_copy(table.at[srcblk.at[0]], rows0, sem0)

        def step(j, carry2):
            i0 = 2 * j
            pltpu.async_copy(table.at[srcblk.at[i0 + 1]], rows1, sem1)
            pltpu.make_async_copy(table.at[srcblk.at[i0]], rows0, sem0).wait()
            pltpu.sync_copy(rows0, acc.at[dstblk.at[i0]], add=True)

            @pl.when(j < KCH // 2 - 1)
            def _():
                pltpu.async_copy(table.at[srcblk.at[i0 + 2]], rows0, sem0)

            pltpu.make_async_copy(table.at[srcblk.at[i0 + 1]], rows1,
                                  sem1).wait()
            pltpu.sync_copy(rows1, acc.at[dstblk.at[i0 + 1]], add=True)
            return carry2

        lax.fori_loop(0, KCH // 2, step, 0)
        return carry

    lax.fori_loop(0, CPT // KCH, blk, 0)
    plsc.subcore_barrier()
    pltpu.sync_copy(acc.at[pl.ds(row0, RPT)], out.at[c, pl.ds(row0, RPT)])


@functools.cache
def _sc_aggregate():
    return pl.kernel(
        _sc_body,
        out_type=jax.ShapeDtypeStruct((NC, N_ACC, H), ADT),
        mesh=plsc.VectorSubcoreMesh(core_axis_name="c", subcore_axis_name="s",
                                    num_cores=NC, num_subcores=NS),
        scratch_types=[
            pltpu.VMEM((KCH, LANE), jnp.int32),
            pltpu.VMEM((KCH, LANE), jnp.int32),
            pltpu.VMEM((LANE, H), ADT),
            pltpu.VMEM((LANE, H), ADT),
            pltpu.VMEM_SHARED((N_ACC, H), ADT),
            pltpu.SemaphoreType.DMA,
            pltpu.SemaphoreType.DMA,
        ],
    )



R = 2000


def _ln_rows(h, g, b, eps=1e-5):
    mu = jnp.mean(h, axis=-1, keepdims=True)
    var = jnp.mean((h - mu) ** 2, axis=-1, keepdims=True)
    return (h - mu) / jnp.sqrt(var + eps) * g + b


def _emit_table(xn, t, tab_ref):
    m = jnp.maximum(xn, 0.0) + 1e-7
    em = jnp.exp(m * t)
    tab_ref[0] = em.astype(ADT)
    tab_ref[1] = (m * em).astype(ADT)


def _pre_body(x_ref, t_ref, tab_ref):
    _emit_table(x_ref[...], t_ref[0, 0], tab_ref)


def _mlp(out, w1_ref, b1_ref, g1_ref, be1_ref, w2_ref, b2_ref):
    h = jnp.dot(out, w1_ref[...], preferred_element_type=jnp.float32)
    h = _ln_rows(h + b1_ref[...], g1_ref[...], be1_ref[...])
    h = jnp.maximum(h, 0.0)
    return jnp.dot(h, w2_ref[...], preferred_element_type=jnp.float32) + b2_ref[...]


def _stage0_body(acc_ref, x_ref, t_ref,
                 w1_ref, b1_ref, g1_ref, be1_ref, w2_ref, b2_ref,
                 xn_ref, tab_ref):
    aggr = (acc_ref[1].astype(jnp.float32)
            / (acc_ref[0].astype(jnp.float32) + 1e-16))
    out = aggr + x_ref[...]
    xn = _mlp(out, w1_ref, b1_ref, g1_ref, be1_ref, w2_ref, b2_ref)
    xn_ref[...] = xn
    _emit_table(xn, t_ref[0, 0], tab_ref)


def _stage1_body(acc_ref, x_ref, t_ref,
                 w1_ref, b1_ref, g1_ref, be1_ref, w2_ref, b2_ref,
                 gn_ref, bn_ref, xn_ref, tab_ref):
    aggr = (acc_ref[1].astype(jnp.float32)
            / (acc_ref[0].astype(jnp.float32) + 1e-16))
    x_in = x_ref[...]
    out = aggr + x_in
    y = _mlp(out, w1_ref, b1_ref, g1_ref, be1_ref, w2_ref, b2_ref)
    xn = x_in + jnp.maximum(_ln_rows(y, gn_ref[...], bn_ref[...]), 0.0)
    xn_ref[...] = xn
    _emit_table(xn, t_ref[0, 0], tab_ref)


def _final_body(acc_ref, x1_ref, x0_ref,
                w1_ref, b1_ref, g1_ref, be1_ref, w2_ref, b2_ref,
                gn_ref, bn_ref, wc0_ref, wc1_ref, wc2_ref, bc_ref, out_ref):
    aggr = (acc_ref[1].astype(jnp.float32)
            / (acc_ref[0].astype(jnp.float32) + 1e-16))
    x1 = x1_ref[...]
    out = aggr + x1
    y = _mlp(out, w1_ref, b1_ref, g1_ref, be1_ref, w2_ref, b2_ref)
    x2 = x1 + jnp.maximum(_ln_rows(y, gn_ref[...], bn_ref[...]), 0.0)
    f = jnp.dot(x0_ref[...], wc0_ref[...], preferred_element_type=jnp.float32)
    f += jnp.dot(x1, wc1_ref[...], preferred_element_type=jnp.float32)
    f += jnp.dot(x2, wc2_ref[...], preferred_element_type=jnp.float32)
    out_ref[...] = f + bc_ref[...]


def _row_spec(shape):
    if len(shape) == 2:
        return pl.BlockSpec((R, shape[1]), lambda i: (i, 0))
    return pl.BlockSpec((shape[0], R, shape[2]), lambda i: (0, i, 0))


def _full_spec(shape):
    return pl.BlockSpec(shape, lambda i: tuple(0 for _ in shape))


def _tc_call(body, in_shapes, out_shapes, row_in, row_out, out_dtypes=None):
    if out_dtypes is None:
        out_dtypes = [jnp.float32] * len(out_shapes)
    in_specs = [_row_spec(s) if r else _full_spec(s)
                for s, r in zip(in_shapes, row_in)]
    out_specs = [_row_spec(s) if r else _full_spec(s)
                 for s, r in zip(out_shapes, row_out)]
    out_shape = [jax.ShapeDtypeStruct(s, d)
                 for s, d in zip(out_shapes, out_dtypes)]
    if len(out_shapes) == 1:
        out_specs, out_shape = out_specs[0], out_shape[0]
    return pl.pallas_call(
        body, grid=(N // R,), in_specs=in_specs,
        out_specs=out_specs, out_shape=out_shape)


def _conv_weights(p):
    return (p['W1'].T, p['b1'][None, :], p['g1'][None, :], p['be1'][None, :],
            p['W2'].T, p['b2'][None, :])


def kernel(x, edge_index, params):
    src, dst = edge_index[0], edge_index[1]
    pad = EPAD - E
    ar = jnp.arange(pad, dtype=jnp.int32)
    srcp = jnp.concatenate([src, ar % 256])
    dstp = jnp.concatenate([dst, N + ar % (N_ACC - N)])
    srcs2 = jnp.stack([srcp, srcp + N]).reshape(NC, C, LANE)
    dsts2 = dstp.reshape(C, LANE)
    zeros = jnp.zeros((N_ACC, H), ADT)

    convs = params['convs']
    ts = [jnp.reshape(c['t'], (1, 1)) for c in convs]
    w0, w1, w2 = (_conv_weights(c) for c in convs)
    wshapes = [(H, 2 * H), (1, 2 * H), (1, 2 * H), (1, 2 * H), (2 * H, H), (1, H)]
    gn = [params['norm_g'][i][None, :] for i in range(2)]
    bn = [params['norm_b'][i][None, :] for i in range(2)]
    wc = [params['Wc'][:, i * H:(i + 1) * H].T for i in range(3)]
    bc = params['bc'][None, :]

    tab0 = _tc_call(
        _pre_body, [(N, H), (1, 1)], [(2, N, H)],
        [True, False], [True], [ADT])(x, ts[0])

    acc0 = _sc_aggregate()(tab0.reshape(2 * N, H), srcs2, dsts2, zeros)
    x0, tab1 = _tc_call(
        _stage0_body,
        [(NC, N_ACC, H), (N, H), (1, 1)] + wshapes,
        [(N, H), (2, N, H)],
        [True, True, False] + [False] * 6, [True, True],
        [jnp.float32, ADT],
    )(acc0, x, ts[1], *w0)

    acc1 = _sc_aggregate()(tab1.reshape(2 * N, H), srcs2, dsts2, zeros)
    x1, tab2 = _tc_call(
        _stage1_body,
        [(NC, N_ACC, H), (N, H), (1, 1)] + wshapes + [(1, H), (1, H)],
        [(N, H), (2, N, H)],
        [True, True, False] + [False] * 8, [True, True],
        [jnp.float32, ADT],
    )(acc1, x0, ts[2], *w1, gn[0], bn[0])

    acc2 = _sc_aggregate()(tab2.reshape(2 * N, H), srcs2, dsts2, zeros)
    out = _tc_call(
        _final_body,
        [(NC, N_ACC, H), (N, H), (N, H)] + wshapes
        + [(1, H), (1, H), (H, H), (H, H), (H, H), (1, H)],
        [(N, H)],
        [True, True, True] + [False] * 12, [True],
    )(acc2, x1, x0, *w2, gn[1], bn[1], *wc, bc)

    return (out, edge_index)

# --- scband reference (transcript-rebuilt; emitter-appended) ---
"""Pipeline reference for scband-part-gcn-42666205118972 (READ-ONLY COPY).

The authoritative reference and input builder live on the scoring server;
editing this copy changes nothing except your own understanding.
"""

import jax, jax.numpy as jnp
import numpy as np

HIDDEN = 128
N_NODES = 10000
N_EDGES = 320000


def _ln(h, g, b, eps=1e-5):
    mu = h.mean(axis=-1, keepdims=True)
    var = ((h - mu) ** 2).mean(axis=-1, keepdims=True)
    return (h - mu) / jnp.sqrt(var + eps) * g + b


def _gen_conv(x, src, dst, p, n):
    # GENConv(aggr='softmax', t learnable init 1.0, num_layers=2 MLP, norm='layer'), edge_attr=None
    msg = jax.nn.relu(x[src]) + 1e-7
    w = msg * p['t']
    wmax = jax.lax.stop_gradient(jax.ops.segment_max(w, dst, num_segments=n))
    wmax = jnp.where(jnp.isfinite(wmax), wmax, 0.0)
    e = jnp.exp(w - wmax[dst])
    denom = jax.ops.segment_sum(e, dst, num_segments=n)
    alpha = e / (denom[dst] + 1e-16)
    aggr = jax.ops.segment_sum(msg * alpha, dst, num_segments=n)
    out = aggr + x
    # MLP: Linear(128,256) -> LayerNorm -> ReLU -> Linear(256,128)
    h = out @ p['W1'].T + p['b1']
    h = _ln(h, p['g1'], p['be1'])
    h = jax.nn.relu(h)
    return h @ p['W2'].T + p['b2']


def _make_params(key):
    ks = jax.random.split(key, 8)
    convs = []
    for i in range(3):
        k1, k2 = jax.random.split(ks[i])
        convs.append({
            't': jnp.float32(1.0),
            'W1': jax.random.normal(k1, (2 * HIDDEN, HIDDEN), jnp.float32) * 0.05,
            'b1': jnp.zeros((2 * HIDDEN,), jnp.float32),
            'g1': jnp.ones((2 * HIDDEN,), jnp.float32),
            'be1': jnp.zeros((2 * HIDDEN,), jnp.float32),
            'W2': jax.random.normal(k2, (HIDDEN, 2 * HIDDEN), jnp.float32) * 0.05,
            'b2': jnp.zeros((HIDDEN,), jnp.float32),
        })
    return {
        'convs': convs,
        'norm_g': [jnp.ones((HIDDEN,), jnp.float32) for _ in range(2)],
        'norm_b': [jnp.zeros((HIDDEN,), jnp.float32) for _ in range(2)],
        'Wc': jax.random.normal(ks[6], (HIDDEN, 3 * HIDDEN), jnp.float32) * 0.05,
        'bc': jnp.zeros((HIDDEN,), jnp.float32),
    }


def setup_inputs(seed: int = 0):
    key = jax.random.key(seed)
    kx, ke, kp = jax.random.split(key, 3)
    x = jax.random.normal(kx, (N_NODES, HIDDEN), jnp.float32)
    edge_index = jax.random.randint(ke, (2, N_EDGES), 0, N_NODES, jnp.int32)
    params = _make_params(kp)
    return {'x': x, 'edge_index': edge_index, 'params': params}


def _forward(x, params, edge_index):
    n = x.shape[0]
    src, dst = edge_index[0], edge_index[1]
    convs = params['convs']
    # x = layers[0].conv(x, ...)  (conv only, no norm/act)
    x0 = _gen_conv(x, src, dst, convs[0], n)
    xs = [x0]
    xc = x0
    # DeepGCNLayer block='res': h = x + relu(layernorm(conv(x)))
    for i in (1, 2):
        h = _gen_conv(xc, src, dst, convs[i], n)
        h = _ln(h, params['norm_g'][i - 1], params['norm_b'][i - 1])
        h = jax.nn.relu(h)
        xc = xc + h
        xs.append(xc)
    xcat = jnp.concatenate(xs, axis=1)
    # Conv2d(3*H, H, kernel=1) on (N, 3H, 1, 1) == linear layer
    return xcat @ params['Wc'].T + params['bc']


def reference(x, edge_index, params):
    out = _forward(x, params, edge_index)
    return (out, edge_index)

if __name__ == "__main__":
    import jax
    _d = setup_inputs()
    print(jax.jit(kernel)(*tuple(_d.values())))

</pallas_src>

<mosaic_0001>
#map = affine_map<(d0, d1) -> (0, 0)>
#map1 = affine_map<(d0, d1) -> (0, 0, 0)>
module attributes {stable_mosaic.version = 14 : i64} {
  func.func @_sc_body(%arg0: i32, %arg1: i32, %arg2: memref<20000x128xf32, #tpu.memory_space<hbm>>, %arg3: memref<2x2560x128xi32, #tpu.memory_space<hbm>>, %arg4: memref<2560x128xi32, #tpu.memory_space<hbm>>, %arg5: memref<10240x128xf32, #tpu.memory_space<hbm>>, %arg6: memref<2x10240x128xf32, #tpu.memory_space<hbm>>, %arg7: memref<40x128xi32, #tpu.memory_space<vmem>>, %arg8: memref<40x128xi32, #tpu.memory_space<vmem>>, %arg9: memref<128x128xf32, #tpu.memory_space<vmem>>, %arg10: memref<128x128xf32, #tpu.memory_space<vmem>>, %arg11: memref<10240x128xf32, #tpu.memory_space<vmem_shared>>, %arg12: memref<!tpu.dma_semaphore, #tpu.memory_space<semaphore_mem>>, %arg13: memref<!tpu.dma_semaphore, #tpu.memory_space<semaphore_mem>>) attributes {dimension_semantics = [#tpu.dimension_semantics<core_parallel>, #tpu.dimension_semantics<subcore_parallel>], iteration_bounds = array<i64: 2, 16>, scalar_prefetch = 0 : i64, scratch_operands = 7 : i64, tpu.core_type = #tpu.core_type<sc_vector_subcore>, window_params = [{transform_indices = #map}, {transform_indices = #map1}, {transform_indices = #map}, {transform_indices = #map}, {transform_indices = #map1}]} {
    %mul3A = arith.constant 640 : i32
    %mul3A_0 = arith.muli %arg1, %mul3A : i32
    "tpu.region"() ({
      %run_scoped3A = tpu.sem_alloc : memref<!tpu.dma_semaphore, #tpu.memory_space<semaphore_mem>>
      %dma_start3A = arith.constant 0 : i32
      %dma_start3A_7 = tpu.memref_slice %arg11[%mul3A_0, %dma_start3A] : memref<10240x128xf32, #tpu.memory_space<vmem_shared>> -> memref<640x128xf32, #tpu.memory_space<vmem_shared>>
      %dma_start3A_8 = arith.constant 0 : i32
      %dma_start3A_9 = tpu.memref_slice %arg5[%mul3A_0, %dma_start3A_8] : memref<10240x128xf32, #tpu.memory_space<hbm>> -> memref<640x128xf32, #tpu.memory_space<hbm>>
      tpu.enqueue_dma source(%dma_start3A_9 : memref<640x128xf32, #tpu.memory_space<hbm>>) target(%dma_start3A_7 : memref<640x128xf32, #tpu.memory_space<vmem_shared>>) target_semaphore(%run_scoped3A : memref<!tpu.dma_semaphore, #tpu.memory_space<semaphore_mem>>)
      %dma_wait3A = arith.constant 0 : i32
      %dma_wait3A_10 = tpu.memref_slice %arg11[%mul3A_0, %dma_wait3A] : memref<10240x128xf32, #tpu.memory_space<vmem_shared>> -> memref<640x128xf32, #tpu.memory_space<vmem_shared>>
      %dma_wait3A_11 = arith.constant 0 : i32
      %dma_wait3A_12 = tpu.memref_slice %arg5[%mul3A_0, %dma_wait3A_11] : memref<10240x128xf32, #tpu.memory_space<hbm>> -> memref<640x128xf32, #tpu.memory_space<hbm>>
      tpu.wait_dma2 semaphore(%run_scoped3A : memref<!tpu.dma_semaphore, #tpu.memory_space<semaphore_mem>>) src(%dma_wait3A_12 : memref<640x128xf32, #tpu.memory_space<hbm>>) dst(%dma_wait3A_10 : memref<640x128xf32, #tpu.memory_space<vmem_shared>>)
      tpu.yield
    }) : () -> ()
    %barrier3A = arith.constant 0 : index
    tpu.barrier barrier_id(%barrier3A)
    %scan3A = arith.constant 0 : i32
    %scan3A_1 = arith.constant 0 : i32
    %scan3A_2 = arith.constant 4 : i32
    %scan3A_3 = arith.addi %scan3A_1, %scan3A_2 : i32
    %scan3A_4 = arith.constant 1 : i32
    scf.for %scan3A_7 = %scan3A_1 to %scan3A_3 step %scan3A_4  : i32 {
      %mul3A_8 = arith.constant 160 : i32
      %mul3A_9 = arith.muli %arg1, %mul3A_8 : i32
      %mul3A_10 = arith.constant 40 : i32
      %mul3A_11 = arith.muli %scan3A_7, %mul3A_10 : i32
      %add3A = arith.addi %mul3A_9, %mul3A_11 : i32
      "tpu.region"() ({
        %run_scoped3A = tpu.sem_alloc : memref<!tpu.dma_semaphore, #tpu.memory_space<semaphore_mem>>
        %dma_start3A_24 = arith.constant 0 : i32
        %dma_start3A_25 = tpu.memref_slice %arg3[%arg0, %add3A, %dma_start3A_24] : memref<2x2560x128xi32, #tpu.memory_space<hbm>> -> memref<1x40x128xi32, #tpu.memory_space<hbm>>
        %dma_start3A_26 = tpu.memref_squeeze %dma_start3A_25 : memref<1x40x128xi32, #tpu.memory_space<hbm>> -> memref<40x128xi32, #tpu.memory_space<hbm>>
        %dma_start3A_27 = arith.constant 0 : i32
        %dma_start3A_28 = tpu.memref_slice %arg3[%arg0, %add3A, %dma_start3A_27] : memref<2x2560x128xi32, #tpu.memory_space<hbm>> -> memref<1x40x128xi32, #tpu.memory_space<hbm>>
        %dma_start3A_29 = tpu.memref_squeeze %dma_start3A_28 : memref<1x40x128xi32, #tpu.memory_space<hbm>> -> memref<40x128xi32, #tpu.memory_space<hbm>>
        tpu.enqueue_dma source(%dma_start3A_29 : memref<40x128xi32, #tpu.memory_space<hbm>>) target(%arg7 : memref<40x128xi32, #tpu.memory_space<vmem>>) target_semaphore(%run_scoped3A : memref<!tpu.dma_semaphore, #tpu.memory_space<semaphore_mem>>)
        %dma_wait3A = arith.constant 0 : i32
        %dma_wait3A_30 = tpu.memref_slice %arg3[%arg0, %add3A, %dma_wait3A] : memref<2x2560x128xi32, #tpu.memory_space<hbm>> -> memref<1x40x128xi32, #tpu.memory_space<hbm>>
        %dma_wait3A_31 = tpu.memref_squeeze %dma_wait3A_30 : memref<1x40x128xi32, #tpu.memory_space<hbm>> -> memref<40x128xi32, #tpu.memory_space<hbm>>
        %dma_wait3A_32 = arith.constant 0 : i32
        %dma_wait3A_33 = tpu.memref_slice %arg3[%arg0, %add3A, %dma_wait3A_32] : memref<2x2560x128xi32, #tpu.memory_space<hbm>> -> memref<1x40x128xi32, #tpu.memory_space<hbm>>
        %dma_wait3A_34 = tpu.memref_squeeze %dma_wait3A_33 : memref<1x40x128xi32, #tpu.memory_space<hbm>> -> memref<40x128xi32, #tpu.memory_space<hbm>>
        tpu.wait_dma2 semaphore(%run_scoped3A : memref<!tpu.dma_semaphore, #tpu.memory_space<semaphore_mem>>) src(%dma_wait3A_34 : memref<40x128xi32, #tpu.memory_space<hbm>>) dst(%arg7 : memref<40x128xi32, #tpu.memory_space<vmem>>)
        tpu.yield
      }) : () -> ()
      "tpu.region"() ({
        %run_scoped3A = tpu.sem_alloc : memref<!tpu.dma_semaphore, #tpu.memory_space<semaphore_mem>>
        %dma_start3A_24 = arith.constant 0 : i32
        %dma_start3A_25 = tpu.memref_slice %arg4[%add3A, %dma_start3A_24] : memref<2560x128xi32, #tpu.memory_space<hbm>> -> memref<40x128xi32, #tpu.memory_space<hbm>>
        %dma_start3A_26 = arith.constant 0 : i32
        %dma_start3A_27 = tpu.memref_slice %arg4[%add3A, %dma_start3A_26] : memref<2560x128xi32, #tpu.memory_space<hbm>> -> memref<40x128xi32, #tpu.memory_space<hbm>>
        tpu.enqueue_dma source(%dma_start3A_27 : memref<40x128xi32, #tpu.memory_space<hbm>>) target(%arg8 : memref<40x128xi32, #tpu.memory_space<vmem>>) target_semaphore(%run_scoped3A : memref<!tpu.dma_semaphore, #tpu.memory_space<semaphore_mem>>)
        %dma_wait3A = arith.constant 0 : i32
        %dma_wait3A_28 = tpu.memref_slice %arg4[%add3A, %dma_wait3A] : memref<2560x128xi32, #tpu.memory_space<hbm>> -> memref<40x128xi32, #tpu.memory_space<hbm>>
        %dma_wait3A_29 = arith.constant 0 : i32
        %dma_wait3A_30 = tpu.memref_slice %arg4[%add3A, %dma_wait3A_29] : memref<2560x128xi32, #tpu.memory_space<hbm>> -> memref<40x128xi32, #tpu.memory_space<hbm>>
        tpu.wait_dma2 semaphore(%run_scoped3A : memref<!tpu.dma_semaphore, #tpu.memory_space<semaphore_mem>>) src(%dma_wait3A_30 : memref<40x128xi32, #tpu.memory_space<hbm>>) dst(%arg8 : memref<40x128xi32, #tpu.memory_space<vmem>>)
        tpu.yield
      }) : () -> ()
      %dma_start3A = arith.constant 0 : i32
      %dma_start3A_12 = arith.constant 0 : i32
      %dma_start3A_13 = tpu.memref_slice %arg7[%dma_start3A, %dma_start3A_12] : memref<40x128xi32, #tpu.memory_space<vmem>> -> memref<1x128xi32, #tpu.memory_space<vmem>>
      %dma_start3A_14 = tpu.memref_squeeze %dma_start3A_13 : memref<1x128xi32, #tpu.memory_space<vmem>> -> memref<128xi32, #tpu.memory_space<vmem>>
      %dma_start3A_15 = arith.constant 0 : i32
      %dma_start3A_16 = arith.constant 0 : i32
      %dma_start3A_17 = tpu.memref_slice %arg2[%dma_start3A_15, %dma_start3A_16] : memref<20000x128xf32, #tpu.memory_space<hbm>> -> memref<20000x128xf32, #tpu.memory_space<hbm>>
      tpu.enqueue_indirect_dma source(%dma_start3A_17 : memref<20000x128xf32, #tpu.memory_space<hbm>>) target(%arg9 : memref<128x128xf32, #tpu.memory_space<vmem>>) offsets(%dma_start3A_14 : memref<128xi32, #tpu.memory_space<vmem>>) semaphore(%arg12 : memref<!tpu.dma_semaphore, #tpu.memory_space<semaphore_mem>>)
      %scan3A_18 = arith.constant 0 : i32
      %scan3A_19 = arith.constant 0 : i32
      %scan3A_20 = arith.constant 20 : i32
      %scan3A_21 = arith.addi %scan3A_19, %scan3A_20 : i32
      %scan3A_22 = arith.constant 1 : i32
      scf.for %scan3A_24 = %scan3A_19 to %scan3A_21 step %scan3A_22  : i32 {
        %mul3A_25 = arith.constant 2 : i32
        %mul3A_26 = arith.muli %mul3A_25, %scan3A_24 : i32
        %add3A_27 = arith.constant 1 : i32
        %add3A_28 = arith.addi %mul3A_26, %add3A_27 : i32
        %dma_start3A_29 = arith.constant 0 : i32
        %dma_start3A_30 = tpu.memref_slice %arg7[%add3A_28, %dma_start3A_29] : memref<40x128xi32, #tpu.memory_space<vmem>> -> memref<1x128xi32, #tpu.memory_space<vmem>>
        %dma_start3A_31 = tpu.memref_squeeze %dma_start3A_30 : memref<1x128xi32, #tpu.memory_space<vmem>> -> memref<128xi32, #tpu.memory_space<vmem>>
        %dma_start3A_32 = arith.constant 0 : i32
        %dma_start3A_33 = arith.constant 0 : i32
        %dma_start3A_34 = tpu.memref_slice %arg2[%dma_start3A_32, %dma_start3A_33] : memref<20000x128xf32, #tpu.memory_space<hbm>> -> memref<20000x128xf32, #tpu.memory_space<hbm>>
        tpu.enqueue_indirect_dma source(%dma_start3A_34 : memref<20000x128xf32, #tpu.memory_space<hbm>>) target(%arg10 : memref<128x128xf32, #tpu.memory_space<vmem>>) offsets(%dma_start3A_31 : memref<128xi32, #tpu.memory_space<vmem>>) semaphore(%arg13 : memref<!tpu.dma_semaphore, #tpu.memory_space<semaphore_mem>>)
        %dma_wait3A = arith.constant 0 : i32
        %dma_wait3A_35 = tpu.memref_slice %arg7[%mul3A_26, %dma_wait3A] : memref<40x128xi32, #tpu.memory_space<vmem>> -> memref<1x128xi32, #tpu.memory_space<vmem>>
        %dma_wait3A_36 = tpu.memref_squeeze %dma_wait3A_35 : memref<1x128xi32, #tpu.memory_space<vmem>> -> memref<128xi32, #tpu.memory_space<vmem>>
        %dma_wait3A_37 = arith.constant 0 : i32
        %dma_wait3A_38 = arith.constant 0 : i32
        %dma_wait3A_39 = tpu.memref_slice %arg2[%dma_wait3A_37, %dma_wait3A_38] : memref<20000x128xf32, #tpu.memory_space<hbm>> -> memref<20000x128xf32, #tpu.memory_space<hbm>>
        tpu.wait_indirect_dma semaphore(%arg12 : memref<!tpu.dma_semaphore, #tpu.memory_space<semaphore_mem>>) src(%dma_wait3A_39 : memref<20000x128xf32, #tpu.memory_space<hbm>>) dst(%arg9 : memref<128x128xf32, #tpu.memory_space<vmem>>)
        "tpu.region"() ({
          %run_scoped3A = tpu.sem_alloc : memref<!tpu.dma_semaphore, #tpu.memory_space<semaphore_mem>>
          %dma_start3A_52 = arith.constant 0 : i32
          %dma_start3A_53 = tpu.memref_slice %arg8[%mul3A_26, %dma_start3A_52] : memref<40x128xi32, #tpu.memory_space<vmem>> -> memref<1x128xi32, #tpu.memory_space<vmem>>
          %dma_start3A_54 = tpu.memref_squeeze %dma_start3A_53 : memref<1x128xi32, #tpu.memory_space<vmem>> -> memref<128xi32, #tpu.memory_space<vmem>>
          %dma_start3A_55 = arith.constant 0 : i32
          %dma_start3A_56 = arith.constant 0 : i32
          %dma_start3A_57 = tpu.memref_slice %arg11[%dma_start3A_55, %dma_start3A_56] : memref<10240x128xf32, #tpu.memory_space<vmem_shared>> -> memref<10240x128xf32, #tpu.memory_space<vmem_shared>>
          tpu.enqueue_indirect_dma source(%arg9 : memref<128x128xf32, #tpu.memory_space<vmem>>) target(%dma_start3A_57 : memref<10240x128xf32, #tpu.memory_space<vmem_shared>>) offsets(%dma_start3A_54 : memref<128xi32, #tpu.memory_space<vmem>>) semaphore(%run_scoped3A : memref<!tpu.dma_semaphore, #tpu.memory_space<semaphore_mem>>) {add = true}
          %dma_wait3A_58 = arith.constant 0 : i32
          %dma_wait3A_59 = tpu.memref_slice %arg8[%mul3A_26, %dma_wait3A_58] : memref<40x128xi32, #tpu.memory_space<vmem>> -> memref<1x128xi32, #tpu.memory_space<vmem>>
          %dma_wait3A_60 = tpu.memref_squeeze %dma_wait3A_59 : memref<1x128xi32, #tpu.memory_space<vmem>> -> memref<128xi32, #tpu.memory_space<vmem>>
          %dma_wait3A_61 = arith.constant 0 : i32
          %dma_wait3A_62 = arith.constant 0 : i32
          %dma_wait3A_63 = tpu.memref_slice %arg11[%dma_wait3A_61, %dma_wait3A_62] : memref<10240x128xf32, #tpu.memory_space<vmem_shared>> -> memref<10240x128xf32, #tpu.memory_space<vmem_shared>>
          tpu.wait_indirect_dma semaphore(%run_scoped3A : memref<!tpu.dma_semaphore, #tpu.memory_space<semaphore_mem>>) src(%arg9 : memref<128x128xf32, #tpu.memory_space<vmem>>) dst(%dma_wait3A_63 : memref<10240x128xf32, #tpu.memory_space<vmem_shared>>)
          tpu.yield
        }) : () -> ()
        %lt3A = arith.constant 19 : i32
        %lt3A_40 = arith.cmpi slt, %scan3A_24, %lt3A : i32
        %convert_element_type3A = arith.extui %lt3A_40 : i1 to i32
        %cond3A = arith.constant 0 : i32
        %cond3A_41 = arith.cmpi ne, %convert_element_type3A, %cond3A : i32
        scf.if %cond3A_41 {
          %add3A_52 = arith.constant 2 : i32
          %add3A_53 = arith.addi %mul3A_26, %add3A_52 : i32
          %dma_start3A_54 = arith.constant 0 : i32
          %dma_start3A_55 = tpu.memref_slice %arg7[%add3A_53, %dma_start3A_54] : memref<40x128xi32, #tpu.memory_space<vmem>> -> memref<1x128xi32, #tpu.memory_space<vmem>>
          %dma_start3A_56 = tpu.memref_squeeze %dma_start3A_55 : memref<1x128xi32, #tpu.memory_space<vmem>> -> memref<128xi32, #tpu.memory_space<vmem>>
          %dma_start3A_57 = arith.constant 0 : i32
          %dma_start3A_58 = arith.constant 0 : i32
          %dma_start3A_59 = tpu.memref_slice %arg2[%dma_start3A_57, %dma_start3A_58] : memref<20000x128xf32, #tpu.memory_space<hbm>> -> memref<20000x128xf32, #tpu.memory_space<hbm>>
          tpu.enqueue_indirect_dma source(%dma_start3A_59 : memref<20000x128xf32, #tpu.memory_space<hbm>>) target(%arg9 : memref<128x128xf32, #tpu.memory_space<vmem>>) offsets(%dma_start3A_56 : memref<128xi32, #tpu.memory_space<vmem>>) semaphore(%arg12 : memref<!tpu.dma_semaphore, #tpu.memory_space<semaphore_mem>>)
        } else {
        }
        %add3A_42 = arith.constant 1 : i32
        %add3A_43 = arith.addi %mul3A_26, %add3A_42 : i32
        %dma_wait3A_44 = arith.constant 0 : i32
        %dma_wait3A_45 = tpu.memref_slice %arg7[%add3A_43, %dma_wait3A_44] : memref<40x128xi32, #tpu.memory_space<vmem>> -> memref<1x128xi32, #tpu.memory_space<vmem>>
        %dma_wait3A_46 = tpu.memref_squeeze %dma_wait3A_45 : memref<1x128xi32, #tpu.memory_space<vmem>> -> memref<128xi32, #tpu.memory_space<vmem>>
        %dma_wait3A_47 = arith.constant 0 : i32
        %dma_wait3A_48 = arith.constant 0 : i32
        %dma_wait3A_49 = tpu.memref_slice %arg2[%dma_wait3A_47, %dma_wait3A_48] : memref<20000x128xf32, #tpu.memory_space<hbm>> -> memref<20000x128xf32, #tpu.memory_space<hbm>>
        tpu.wait_indirect_dma semaphore(%arg13 : memref<!tpu.dma_semaphore, #tpu.memory_space<semaphore_mem>>) src(%dma_wait3A_49 : memref<20000x128xf32, #tpu.memory_space<hbm>>) dst(%arg10 : memref<128x128xf32, #tpu.memory_space<vmem>>)
        %add3A_50 = arith.constant 1 : i32
        %add3A_51 = arith.addi %mul3A_26, %add3A_50 : i32
        "tpu.region"() ({
          %run_scoped3A = tpu.sem_alloc : memref<!tpu.dma_semaphore, #tpu.memory_space<semaphore_mem>>
          %dma_start3A_52 = arith.constant 0 : i32
          %dma_start3A_53 = tpu.memref_slice %arg8[%add3A_51, %dma_start3A_52] : memref<40x128xi32, #tpu.memory_space<vmem>> -> memref<1x128xi32, #tpu.memory_space<vmem>>
          %dma_start3A_54 = tpu.memref_squeeze %dma_start3A_53 : memref<1x128xi32, #tpu.memory_space<vmem>> -> memref<128xi32, #tpu.memory_space<vmem>>
          %dma_start3A_55 = arith.constant 0 : i32
          %dma_start3A_56 = arith.constant 0 : i32
          %dma_start3A_57 = tpu.memref_slice %arg11[%dma_start3A_55, %dma_start3A_56] : memref<10240x128xf32, #tpu.memory_space<vmem_shared>> -> memref<10240x128xf32, #tpu.memory_space<vmem_shared>>
          tpu.enqueue_indirect_dma source(%arg10 : memref<128x128xf32, #tpu.memory_space<vmem>>) target(%dma_start3A_57 : memref<10240x128xf32, #tpu.memory_space<vmem_shared>>) offsets(%dma_start3A_54 : memref<128xi32, #tpu.memory_space<vmem>>) semaphore(%run_scoped3A : memref<!tpu.dma_semaphore, #tpu.memory_space<semaphore_mem>>) {add = true}
          %dma_wait3A_58 = arith.constant 0 : i32
          %dma_wait3A_59 = tpu.memref_slice %arg8[%add3A_51, %dma_wait3A_58] : memref<40x128xi32, #tpu.memory_space<vmem>> -> memref<1x128xi32, #tpu.memory_space<vmem>>
          %dma_wait3A_60 = tpu.memref_squeeze %dma_wait3A_59 : memref<1x128xi32, #tpu.memory_space<vmem>> -> memref<128xi32, #tpu.memory_space<vmem>>
          %dma_wait3A_61 = arith.constant 0 : i32
          %dma_wait3A_62 = arith.constant 0 : i32
          %dma_wait3A_63 = tpu.memref_slice %arg11[%dma_wait3A_61, %dma_wait3A_62] : memref<10240x128xf32, #tpu.memory_space<vmem_shared>> -> memref<10240x128xf32, #tpu.memory_space<vmem_shared>>
          tpu.wait_indirect_dma semaphore(%run_scoped3A : memref<!tpu.dma_semaphore, #tpu.memory_space<semaphore_mem>>) src(%arg10 : memref<128x128xf32, #tpu.memory_space<vmem>>) dst(%dma_wait3A_63 : memref<10240x128xf32, #tpu.memory_space<vmem_shared>>)
          tpu.yield
        }) : () -> ()
      }
      %scan3A_23 = arith.constant 20 : i32
    }
    %scan3A_5 = arith.constant 4 : i32
    %barrier3A_6 = arith.constant 0 : index
    tpu.barrier barrier_id(%barrier3A_6)
    "tpu.region"() ({
      %run_scoped3A = tpu.sem_alloc : memref<!tpu.dma_semaphore, #tpu.memory_space<semaphore_mem>>
      %dma_start3A = arith.constant 0 : i32
      %dma_start3A_7 = tpu.memref_slice %arg6[%arg0, %mul3A_0, %dma_start3A] : memref<2x10240x128xf32, #tpu.memory_space<hbm>> -> memref<1x640x128xf32, #tpu.memory_space<hbm>>
      %dma_start3A_8 = tpu.memref_squeeze %dma_start3A_7 : memref<1x640x128xf32, #tpu.memory_space<hbm>> -> memref<640x128xf32, #tpu.memory_space<hbm>>
      %dma_start3A_9 = arith.constant 0 : i32
      %dma_start3A_10 = tpu.memref_slice %arg11[%mul3A_0, %dma_start3A_9] : memref<10240x128xf32, #tpu.memory_space<vmem_shared>> -> memref<640x128xf32, #tpu.memory_space<vmem_shared>>
      tpu.enqueue_dma source(%dma_start3A_10 : memref<640x128xf32, #tpu.memory_space<vmem_shared>>) target(%dma_start3A_8 : memref<640x128xf32, #tpu.memory_space<hbm>>) target_semaphore(%run_scoped3A : memref<!tpu.dma_semaphore, #tpu.memory_space<semaphore_mem>>)
      %dma_wait3A = arith.constant 0 : i32
      %dma_wait3A_11 = tpu.memref_slice %arg6[%arg0, %mul3A_0, %dma_wait3A] : memref<2x10240x128xf32, #tpu.memory_space<hbm>> -> memref<1x640x128xf32, #tpu.memory_space<hbm>>
      %dma_wait3A_12 = tpu.memref_squeeze %dma_wait3A_11 : memref<1x640x128xf32, #tpu.memory_space<hbm>> -> memref<640x128xf32, #tpu.memory_space<hbm>>
      %dma_wait3A_13 = arith.constant 0 : i32
      %dma_wait3A_14 = tpu.memref_slice %arg11[%mul3A_0, %dma_wait3A_13] : memref<10240x128xf32, #tpu.memory_space<vmem_shared>> -> memref<640x128xf32, #tpu.memory_space<vmem_shared>>
      tpu.wait_dma2 semaphore(%run_scoped3A : memref<!tpu.dma_semaphore, #tpu.memory_space<semaphore_mem>>) src(%dma_wait3A_14 : memref<640x128xf32, #tpu.memory_space<vmem_shared>>) dst(%dma_wait3A_12 : memref<640x128xf32, #tpu.memory_space<hbm>>)
      tpu.yield
    }) : () -> ()
    return
  }
}

#map = affine_map<(d0, d1) -> (0, 0)>
#map1 = affine_map<(d0, d1) -> (0, 0, 0)>
module attributes {stable_mosaic.version = 14 : i64} {
  func.func @_sc_body(%arg0: i32, %arg1: i32, %arg2: memref<20000x128xf32, #tpu.memory_space<hbm>>, %arg3: memref<2x2560x128xi32, #tpu.memory_space<hbm>>, %arg4: memref<2560x128xi32, #tpu.memory_space<hbm>>, %arg5: memref<10240x128xf32, #tpu.memory_space<hbm>>, %arg6: memref<2x10240x128xf32, #tpu.memory_space<hbm>>, %arg7: memref<40x128xi32, #tpu.memory_space<vmem>>, %arg8: memref<40x128xi32, #tpu.memory_space<vmem>>, %arg9: memref<128x128xf32, #tpu.memory_space<vmem>>, %arg10: memref<128x128xf32, #tpu.memory_space<vmem>>, %arg11: memref<10240x128xf32, #tpu.memory_space<vmem_shared>>, %arg12: memref<!tpu.dma_semaphore, #tpu.memory_space<semaphore_mem>>, %arg13: memref<!tpu.dma_semaphore, #tpu.memory_space<semaphore_mem>>) attributes {dimension_semantics = [#tpu.dimension_semantics<core_parallel>, #tpu.dimension_semantics<subcore_parallel>], iteration_bounds = array<i64: 2, 16>, scalar_prefetch = 0 : i64, scratch_operands = 7 : i64, tpu.core_type = #tpu.core_type<sc_vector_subcore>, window_params = [{transform_indices = #map}, {transform_indices = #map1}, {transform_indices = #map}, {transform_indices = #map}, {transform_indices = #map1}]} {
    %mul3A = arith.constant 640 : i32
    %mul3A_0 = arith.muli %arg1, %mul3A : i32
    "tpu.region"() ({
      %run_scoped3A = tpu.sem_alloc : memref<!tpu.dma_semaphore, #tpu.memory_space<semaphore_mem>>
      %dma_start3A = arith.constant 0 : i32
      %dma_start3A_7 = tpu.memref_slice %arg11[%mul3A_0, %dma_start3A] : memref<10240x128xf32, #tpu.memory_space<vmem_shared>> -> memref<640x128xf32, #tpu.memory_space<vmem_shared>>
      %dma_start3A_8 = arith.constant 0 : i32
      %dma_start3A_9 = tpu.memref_slice %arg5[%mul3A_0, %dma_start3A_8] : memref<10240x128xf32, #tpu.memory_space<hbm>> -> memref<640x128xf32, #tpu.memory_space<hbm>>
      tpu.enqueue_dma source(%dma_start3A_9 : memref<640x128xf32, #tpu.memory_space<hbm>>) target(%dma_start3A_7 : memref<640x128xf32, #tpu.memory_space<vmem_shared>>) target_semaphore(%run_scoped3A : memref<!tpu.dma_semaphore, #tpu.memory_space<semaphore_mem>>)
      %dma_wait3A = arith.constant 0 : i32
      %dma_wait3A_10 = tpu.memref_slice %arg11[%mul3A_0, %dma_wait3A] : memref<10240x128xf32, #tpu.memory_space<vmem_shared>> -> memref<640x128xf32, #tpu.memory_space<vmem_shared>>
      %dma_wait3A_11 = arith.constant 0 : i32
      %dma_wait3A_12 = tpu.memref_slice %arg5[%mul3A_0, %dma_wait3A_11] : memref<10240x128xf32, #tpu.memory_space<hbm>> -> memref<640x128xf32, #tpu.memory_space<hbm>>
      tpu.wait_dma2 semaphore(%run_scoped3A : memref<!tpu.dma_semaphore, #tpu.memory_space<semaphore_mem>>) src(%dma_wait3A_12 : memref<640x128xf32, #tpu.memory_space<hbm>>) dst(%dma_wait3A_10 : memref<640x128xf32, #tpu.memory_space<vmem_shared>>)
      tpu.yield
    }) : () -> ()
    %barrier3A = arith.constant 0 : index
    tpu.barrier barrier_id(%barrier3A)
    %scan3A = arith.constant 0 : i32
    %scan3A_1 = arith.constant 0 : i32
    %scan3A_2 = arith.constant 4 : i32
    %scan3A_3 = arith.addi %scan3A_1, %scan3A_2 : i32
    %scan3A_4 = arith.constant 1 : i32
    scf.for %scan3A_7 = %scan3A_1 to %scan3A_3 step %scan3A_4  : i32 {
      %mul3A_8 = arith.constant 160 : i32
      %mul3A_9 = arith.muli %arg1, %mul3A_8 : i32
      %mul3A_10 = arith.constant 40 : i32
      %mul3A_11 = arith.muli %scan3A_7, %mul3A_10 : i32
      %add3A = arith.addi %mul3A_9, %mul3A_11 : i32
      "tpu.region"() ({
        %run_scoped3A = tpu.sem_alloc : memref<!tpu.dma_semaphore, #tpu.memory_space<semaphore_mem>>
        %dma_start3A_24 = arith.constant 0 : i32
        %dma_start3A_25 = tpu.memref_slice %arg3[%arg0, %add3A, %dma_start3A_24] : memref<2x2560x128xi32, #tpu.memory_space<hbm>> -> memref<1x40x128xi32, #tpu.memory_space<hbm>>
        %dma_start3A_26 = tpu.memref_squeeze %dma_start3A_25 : memref<1x40x128xi32, #tpu.memory_space<hbm>> -> memref<40x128xi32, #tpu.memory_space<hbm>>
        %dma_start3A_27 = arith.constant 0 : i32
        %dma_start3A_28 = tpu.memref_slice %arg3[%arg0, %add3A, %dma_start3A_27] : memref<2x2560x128xi32, #tpu.memory_space<hbm>> -> memref<1x40x128xi32, #tpu.memory_space<hbm>>
        %dma_start3A_29 = tpu.memref_squeeze %dma_start3A_28 : memref<1x40x128xi32, #tpu.memory_space<hbm>> -> memref<40x128xi32, #tpu.memory_space<hbm>>
        tpu.enqueue_dma source(%dma_start3A_29 : memref<40x128xi32, #tpu.memory_space<hbm>>) target(%arg7 : memref<40x128xi32, #tpu.memory_space<vmem>>) target_semaphore(%run_scoped3A : memref<!tpu.dma_semaphore, #tpu.memory_space<semaphore_mem>>)
        %dma_wait3A = arith.constant 0 : i32
        %dma_wait3A_30 = tpu.memref_slice %arg3[%arg0, %add3A, %dma_wait3A] : memref<2x2560x128xi32, #tpu.memory_space<hbm>> -> memref<1x40x128xi32, #tpu.memory_space<hbm>>
        %dma_wait3A_31 = tpu.memref_squeeze %dma_wait3A_30 : memref<1x40x128xi32, #tpu.memory_space<hbm>> -> memref<40x128xi32, #tpu.memory_space<hbm>>
        %dma_wait3A_32 = arith.constant 0 : i32
        %dma_wait3A_33 = tpu.memref_slice %arg3[%arg0, %add3A, %dma_wait3A_32] : memref<2x2560x128xi32, #tpu.memory_space<hbm>> -> memref<1x40x128xi32, #tpu.memory_space<hbm>>
        %dma_wait3A_34 = tpu.memref_squeeze %dma_wait3A_33 : memref<1x40x128xi32, #tpu.memory_space<hbm>> -> memref<40x128xi32, #tpu.memory_space<hbm>>
        tpu.wait_dma2 semaphore(%run_scoped3A : memref<!tpu.dma_semaphore, #tpu.memory_space<semaphore_mem>>) src(%dma_wait3A_34 : memref<40x128xi32, #tpu.memory_space<hbm>>) dst(%arg7 : memref<40x128xi32, #tpu.memory_space<vmem>>)
        tpu.yield
      }) : () -> ()
      "tpu.region"() ({
        %run_scoped3A = tpu.sem_alloc : memref<!tpu.dma_semaphore, #tpu.memory_space<semaphore_mem>>
        %dma_start3A_24 = arith.constant 0 : i32
        %dma_start3A_25 = tpu.memref_slice %arg4[%add3A, %dma_start3A_24] : memref<2560x128xi32, #tpu.memory_space<hbm>> -> memref<40x128xi32, #tpu.memory_space<hbm>>
        %dma_start3A_26 = arith.constant 0 : i32
        %dma_start3A_27 = tpu.memref_slice %arg4[%add3A, %dma_start3A_26] : memref<2560x128xi32, #tpu.memory_space<hbm>> -> memref<40x128xi32, #tpu.memory_space<hbm>>
        tpu.enqueue_dma source(%dma_start3A_27 : memref<40x128xi32, #tpu.memory_space<hbm>>) target(%arg8 : memref<40x128xi32, #tpu.memory_space<vmem>>) target_semaphore(%run_scoped3A : memref<!tpu.dma_semaphore, #tpu.memory_space<semaphore_mem>>)
        %dma_wait3A = arith.constant 0 : i32
        %dma_wait3A_28 = tpu.memref_slice %arg4[%add3A, %dma_wait3A] : memref<2560x128xi32, #tpu.memory_space<hbm>> -> memref<40x128xi32, #tpu.memory_space<hbm>>
        %dma_wait3A_29 = arith.constant 0 : i32
        %dma_wait3A_30 = tpu.memref_slice %arg4[%add3A, %dma_wait3A_29] : memref<2560x128xi32, #tpu.memory_space<hbm>> -> memref<40x128xi32, #tpu.memory_space<hbm>>
        tpu.wait_dma2 semaphore(%run_scoped3A : memref<!tpu.dma_semaphore, #tpu.memory_space<semaphore_mem>>) src(%dma_wait3A_30 : memref<40x128xi32, #tpu.memory_space<hbm>>) dst(%arg8 : memref<40x128xi32, #tpu.memory_space<vmem>>)
        tpu.yield
      }) : () -> ()
      %dma_start3A = arith.constant 0 : i32
      %dma_start3A_12 = arith.constant 0 : i32
      %dma_start3A_13 = tpu.memref_slice %arg7[%dma_start3A, %dma_start3A_12] : memref<40x128xi32, #tpu.memory_space<vmem>> -> memref<1x128xi32, #tpu.memory_space<vmem>>
      %dma_start3A_14 = tpu.memref_squeeze %dma_start3A_13 : memref<1x128xi32, #tpu.memory_space<vmem>> -> memref<128xi32, #tpu.memory_space<vmem>>
      %dma_start3A_15 = arith.constant 0 : i32
      %dma_start3A_16 = arith.constant 0 : i32
      %dma_start3A_17 = tpu.memref_slice %arg2[%dma_start3A_15, %dma_start3A_16] : memref<20000x128xf32, #tpu.memory_space<hbm>> -> memref<20000x128xf32, #tpu.memory_space<hbm>>
      tpu.enqueue_indirect_dma source(%dma_start3A_17 : memref<20000x128xf32, #tpu.memory_space<hbm>>) target(%arg9 : memref<128x128xf32, #tpu.memory_space<vmem>>) offsets(%dma_start3A_14 : memref<128xi32, #tpu.memory_space<vmem>>) semaphore(%arg12 : memref<!tpu.dma_semaphore, #tpu.memory_space<semaphore_mem>>)
      %scan3A_18 = arith.constant 0 : i32
      %scan3A_19 = arith.constant 0 : i32
      %scan3A_20 = arith.constant 20 : i32
      %scan3A_21 = arith.addi %scan3A_19, %scan3A_20 : i32
      %scan3A_22 = arith.constant 1 : i32
      scf.for %scan3A_24 = %scan3A_19 to %scan3A_21 step %scan3A_22  : i32 {
        %mul3A_25 = arith.constant 2 : i32
        %mul3A_26 = arith.muli %mul3A_25, %scan3A_24 : i32
        %add3A_27 = arith.constant 1 : i32
        %add3A_28 = arith.addi %mul3A_26, %add3A_27 : i32
        %dma_start3A_29 = arith.constant 0 : i32
        %dma_start3A_30 = tpu.memref_slice %arg7[%add3A_28, %dma_start3A_29] : memref<40x128xi32, #tpu.memory_space<vmem>> -> memref<1x128xi32, #tpu.memory_space<vmem>>
        %dma_start3A_31 = tpu.memref_squeeze %dma_start3A_30 : memref<1x128xi32, #tpu.memory_space<vmem>> -> memref<128xi32, #tpu.memory_space<vmem>>
        %dma_start3A_32 = arith.constant 0 : i32
        %dma_start3A_33 = arith.constant 0 : i32
        %dma_start3A_34 = tpu.memref_slice %arg2[%dma_start3A_32, %dma_start3A_33] : memref<20000x128xf32, #tpu.memory_space<hbm>> -> memref<20000x128xf32, #tpu.memory_space<hbm>>
        tpu.enqueue_indirect_dma source(%dma_start3A_34 : memref<20000x128xf32, #tpu.memory_space<hbm>>) target(%arg10 : memref<128x128xf32, #tpu.memory_space<vmem>>) offsets(%dma_start3A_31 : memref<128xi32, #tpu.memory_space<vmem>>) semaphore(%arg13 : memref<!tpu.dma_semaphore, #tpu.memory_space<semaphore_mem>>)
        %dma_wait3A = arith.constant 0 : i32
        %dma_wait3A_35 = tpu.memref_slice %arg7[%mul3A_26, %dma_wait3A] : memref<40x128xi32, #tpu.memory_space<vmem>> -> memref<1x128xi32, #tpu.memory_space<vmem>>
        %dma_wait3A_36 = tpu.memref_squeeze %dma_wait3A_35 : memref<1x128xi32, #tpu.memory_space<vmem>> -> memref<128xi32, #tpu.memory_space<vmem>>
        %dma_wait3A_37 = arith.constant 0 : i32
        %dma_wait3A_38 = arith.constant 0 : i32
        %dma_wait3A_39 = tpu.memref_slice %arg2[%dma_wait3A_37, %dma_wait3A_38] : memref<20000x128xf32, #tpu.memory_space<hbm>> -> memref<20000x128xf32, #tpu.memory_space<hbm>>
        tpu.wait_indirect_dma semaphore(%arg12 : memref<!tpu.dma_semaphore, #tpu.memory_space<semaphore_mem>>) src(%dma_wait3A_39 : memref<20000x128xf32, #tpu.memory_space<hbm>>) dst(%arg9 : memref<128x128xf32, #tpu.memory_space<vmem>>)
        "tpu.region"() ({
          %run_scoped3A = tpu.sem_alloc : memref<!tpu.dma_semaphore, #tpu.memory_space<semaphore_mem>>
          %dma_start3A_52 = arith.constant 0 : i32
          %dma_start3A_53 = tpu.memref_slice %arg8[%mul3A_26, %dma_start3A_52] : memref<40x128xi32, #tpu.memory_space<vmem>> -> memref<1x128xi32, #tpu.memory_space<vmem>>
          %dma_start3A_54 = tpu.memref_squeeze %dma_start3A_53 : memref<1x128xi32, #tpu.memory_space<vmem>> -> memref<128xi32, #tpu.memory_space<vmem>>
          %dma_start3A_55 = arith.constant 0 : i32
          %dma_start3A_56 = arith.constant 0 : i32
          %dma_start3A_57 = tpu.memref_slice %arg11[%dma_start3A_55, %dma_start3A_56] : memref<10240x128xf32, #tpu.memory_space<vmem_shared>> -> memref<10240x128xf32, #tpu.memory_space<vmem_shared>>
          tpu.enqueue_indirect_dma source(%arg9 : memref<128x128xf32, #tpu.memory_space<vmem>>) target(%dma_start3A_57 : memref<10240x128xf32, #tpu.memory_space<vmem_shared>>) offsets(%dma_start3A_54 : memref<128xi32, #tpu.memory_space<vmem>>) semaphore(%run_scoped3A : memref<!tpu.dma_semaphore, #tpu.memory_space<semaphore_mem>>) {add = true}
          %dma_wait3A_58 = arith.constant 0 : i32
          %dma_wait3A_59 = tpu.memref_slice %arg8[%mul3A_26, %dma_wait3A_58] : memref<40x128xi32, #tpu.memory_space<vmem>> -> memref<1x128xi32, #tpu.memory_space<vmem>>
          %dma_wait3A_60 = tpu.memref_squeeze %dma_wait3A_59 : memref<1x128xi32, #tpu.memory_space<vmem>> -> memref<128xi32, #tpu.memory_space<vmem>>
          %dma_wait3A_61 = arith.constant 0 : i32
          %dma_wait3A_62 = arith.constant 0 : i32
          %dma_wait3A_63 = tpu.memref_slice %arg11[%dma_wait3A_61, %dma_wait3A_62] : memref<10240x128xf32, #tpu.memory_space<vmem_shared>> -> memref<10240x128xf32, #tpu.memory_space<vmem_shared>>
          tpu.wait_indirect_dma semaphore(%run_scoped3A : memref<!tpu.dma_semaphore, #tpu.memory_space<semaphore_mem>>) src(%arg9 : memref<128x128xf32, #tpu.memory_space<vmem>>) dst(%dma_wait3A_63 : memref<10240x128xf32, #tpu.memory_space<vmem_shared>>)
          tpu.yield
        }) : () -> ()
        %lt3A = arith.constant 19 : i32
        %lt3A_40 = arith.cmpi slt, %scan3A_24, %lt3A : i32
        %convert_element_type3A = arith.extui %lt3A_40 : i1 to i32
        %cond3A = arith.constant 0 : i32
        %cond3A_41 = arith.cmpi ne, %convert_element_type3A, %cond3A : i32
        scf.if %cond3A_41 {
          %add3A_52 = arith.constant 2 : i32
          %add3A_53 = arith.addi %mul3A_26, %add3A_52 : i32
          %dma_start3A_54 = arith.constant 0 : i32
          %dma_start3A_55 = tpu.memref_slice %arg7[%add3A_53, %dma_start3A_54] : memref<40x128xi32, #tpu.memory_space<vmem>> -> memref<1x128xi32, #tpu.memory_space<vmem>>
          %dma_start3A_56 = tpu.memref_squeeze %dma_start3A_55 : memref<1x128xi32, #tpu.memory_space<vmem>> -> memref<128xi32, #tpu.memory_space<vmem>>
          %dma_start3A_57 = arith.constant 0 : i32
          %dma_start3A_58 = arith.constant 0 : i32
          %dma_start3A_59 = tpu.memref_slice %arg2[%dma_start3A_57, %dma_start3A_58] : memref<20000x128xf32, #tpu.memory_space<hbm>> -> memref<20000x128xf32, #tpu.memory_space<hbm>>
          tpu.enqueue_indirect_dma source(%dma_start3A_59 : memref<20000x128xf32, #tpu.memory_space<hbm>>) target(%arg9 : memref<128x128xf32, #tpu.memory_space<vmem>>) offsets(%dma_start3A_56 : memref<128xi32, #tpu.memory_space<vmem>>) semaphore(%arg12 : memref<!tpu.dma_semaphore, #tpu.memory_space<semaphore_mem>>)
        } else {
        }
        %add3A_42 = arith.constant 1 : i32
        %add3A_43 = arith.addi %mul3A_26, %add3A_42 : i32
        %dma_wait3A_44 = arith.constant 0 : i32
        %dma_wait3A_45 = tpu.memref_slice %arg7[%add3A_43, %dma_wait3A_44] : memref<40x128xi32, #tpu.memory_space<vmem>> -> memref<1x128xi32, #tpu.memory_space<vmem>>
        %dma_wait3A_46 = tpu.memref_squeeze %dma_wait3A_45 : memref<1x128xi32, #tpu.memory_space<vmem>> -> memref<128xi32, #tpu.memory_space<vmem>>
        %dma_wait3A_47 = arith.constant 0 : i32
        %dma_wait3A_48 = arith.constant 0 : i32
        %dma_wait3A_49 = tpu.memref_slice %arg2[%dma_wait3A_47, %dma_wait3A_48] : memref<20000x128xf32, #tpu.memory_space<hbm>> -> memref<20000x128xf32, #tpu.memory_space<hbm>>
        tpu.wait_indirect_dma semaphore(%arg13 : memref<!tpu.dma_semaphore, #tpu.memory_space<semaphore_mem>>) src(%dma_wait3A_49 : memref<20000x128xf32, #tpu.memory_space<hbm>>) dst(%arg10 : memref<128x128xf32, #tpu.memory_space<vmem>>)
        %add3A_50 = arith.constant 1 : i32
        %add3A_51 = arith.addi %mul3A_26, %add3A_50 : i32
        "tpu.region"() ({
          %run_scoped3A = tpu.sem_alloc : memref<!tpu.dma_semaphore, #tpu.memory_space<semaphore_mem>>
          %dma_start3A_52 = arith.constant 0 : i32
          %dma_start3A_53 = tpu.memref_slice %arg8[%add3A_51, %dma_start3A_52] : memref<40x128xi32, #tpu.memory_space<vmem>> -> memref<1x128xi32, #tpu.memory_space<vmem>>
          %dma_start3A_54 = tpu.memref_squeeze %dma_start3A_53 : memref<1x128xi32, #tpu.memory_space<vmem>> -> memref<128xi32, #tpu.memory_space<vmem>>
          %dma_start3A_55 = arith.constant 0 : i32
          %dma_start3A_56 = arith.constant 0 : i32
          %dma_start3A_57 = tpu.memref_slice %arg11[%dma_start3A_55, %dma_start3A_56] : memref<10240x128xf32, #tpu.memory_space<vmem_shared>> -> memref<10240x128xf32, #tpu.memory_space<vmem_shared>>
          tpu.enqueue_indirect_dma source(%arg10 : memref<128x128xf32, #tpu.memory_space<vmem>>) target(%dma_start3A_57 : memref<10240x128xf32, #tpu.memory_space<vmem_shared>>) offsets(%dma_start3A_54 : memref<128xi32, #tpu.memory_space<vmem>>) semaphore(%run_scoped3A : memref<!tpu.dma_semaphore, #tpu.memory_space<semaphore_mem>>) {add = true}
          %dma_wait3A_58 = arith.constant 0 : i32
          %dma_wait3A_59 = tpu.memref_slice %arg8[%add3A_51, %dma_wait3A_58] : memref<40x128xi32, #tpu.memory_space<vmem>> -> memref<1x128xi32, #tpu.memory_space<vmem>>
          %dma_wait3A_60 = tpu.memref_squeeze %dma_wait3A_59 : memref<1x128xi32, #tpu.memory_space<vmem>> -> memref<128xi32, #tpu.memory_space<vmem>>
          %dma_wait3A_61 = arith.constant 0 : i32
          %dma_wait3A_62 = arith.constant 0 : i32
          %dma_wait3A_63 = tpu.memref_slice %arg11[%dma_wait3A_61, %dma_wait3A_62] : memref<10240x128xf32, #tpu.memory_space<vmem_shared>> -> memref<10240x128xf32, #tpu.memory_space<vmem_shared>>
          tpu.wait_indirect_dma semaphore(%run_scoped3A : memref<!tpu.dma_semaphore, #tpu.memory_space<semaphore_mem>>) src(%arg10 : memref<128x128xf32, #tpu.memory_space<vmem>>) dst(%dma_wait3A_63 : memref<10240x128xf32, #tpu.memory_space<vmem_shared>>)
          tpu.yield
        }) : () -> ()
      }
      %scan3A_23 = arith.constant 20 : i32
    }
    %scan3A_5 = arith.constant 4 : i32
    %barrier3A_6 = arith.constant 0 : index
    tpu.barrier barrier_id(%barrier3A_6)
    "tpu.region"() ({
      %run_scoped3A = tpu.sem_alloc : memref<!tpu.dma_semaphore, #tpu.memory_space<semaphore_mem>>
      %dma_start3A = arith.constant 0 : i32
      %dma_start3A_7 = tpu.memref_slice %arg6[%arg0, %mul3A_0, %dma_start3A] : memref<2x10240x128xf32, #tpu.memory_space<hbm>> -> memref<1x640x128xf32, #tpu.memory_space<hbm>>
      %dma_start3A_8 = tpu.memref_squeeze %dma_start3A_7 : memref<1x640x128xf32, #tpu.memory_space<hbm>> -> memref<640x128xf32, #tpu.memory_space<hbm>>
      %dma_start3A_9 = arith.constant 0 : i32
      %dma_start3A_10 = tpu.memref_slice %arg11[%mul3A_0, %dma_start3A_9] : memref<10240x128xf32, #tpu.memory_space<vmem_shared>> -> memref<640x128xf32, #tpu.memory_space<vmem_shared>>
      tpu.enqueue_dma source(%dma_start3A_10 : memref<640x128xf32, #tpu.memory_space<vmem_shared>>) target(%dma_start3A_8 : memref<640x128xf32, #tpu.memory_space<hbm>>) target_semaphore(%run_scoped3A : memref<!tpu.dma_semaphore, #tpu.memory_space<semaphore_mem>>)
      %dma_wait3A = arith.constant 0 : i32
      %dma_wait3A_11 = tpu.memref_slice %arg6[%arg0, %mul3A_0, %dma_wait3A] : memref<2x10240x128xf32, #tpu.memory_space<hbm>> -> memref<1x640x128xf32, #tpu.memory_space<hbm>>
      %dma_wait3A_12 = tpu.memref_squeeze %dma_wait3A_11 : memref<1x640x128xf32, #tpu.memory_space<hbm>> -> memref<640x128xf32, #tpu.memory_space<hbm>>
      %dma_wait3A_13 = arith.constant 0 : i32
      %dma_wait3A_14 = tpu.memref_slice %arg11[%mul3A_0, %dma_wait3A_13] : memref<10240x128xf32, #tpu.memory_space<vmem_shared>> -> memref<640x128xf32, #tpu.memory_space<vmem_shared>>
      tpu.wait_dma2 semaphore(%run_scoped3A : memref<!tpu.dma_semaphore, #tpu.memory_space<semaphore_mem>>) src(%dma_wait3A_14 : memref<640x128xf32, #tpu.memory_space<vmem_shared>>) dst(%dma_wait3A_12 : memref<640x128xf32, #tpu.memory_space<hbm>>)
      tpu.yield
    }) : () -> ()
    return
  }
}

#map = affine_map<(d0, d1) -> (0, 0)>
#map1 = affine_map<(d0, d1) -> (0, 0, 0)>
module attributes {stable_mosaic.version = 14 : i64} {
  func.func @_sc_body(%arg0: i32, %arg1: i32, %arg2: memref<20000x128xf32, #tpu.memory_space<hbm>>, %arg3: memref<2x2560x128xi32, #tpu.memory_space<hbm>>, %arg4: memref<2560x128xi32, #tpu.memory_space<hbm>>, %arg5: memref<10240x128xf32, #tpu.memory_space<hbm>>, %arg6: memref<2x10240x128xf32, #tpu.memory_space<hbm>>, %arg7: memref<40x128xi32, #tpu.memory_space<vmem>>, %arg8: memref<40x128xi32, #tpu.memory_space<vmem>>, %arg9: memref<128x128xf32, #tpu.memory_space<vmem>>, %arg10: memref<128x128xf32, #tpu.memory_space<vmem>>, %arg11: memref<10240x128xf32, #tpu.memory_space<vmem_shared>>, %arg12: memref<!tpu.dma_semaphore, #tpu.memory_space<semaphore_mem>>, %arg13: memref<!tpu.dma_semaphore, #tpu.memory_space<semaphore_mem>>) attributes {dimension_semantics = [#tpu.dimension_semantics<core_parallel>, #tpu.dimension_semantics<subcore_parallel>], iteration_bounds = array<i64: 2, 16>, scalar_prefetch = 0 : i64, scratch_operands = 7 : i64, tpu.core_type = #tpu.core_type<sc_vector_subcore>, window_params = [{transform_indices = #map}, {transform_indices = #map1}, {transform_indices = #map}, {transform_indices = #map}, {transform_indices = #map1}]} {
    %mul3A = arith.constant 640 : i32
    %mul3A_0 = arith.muli %arg1, %mul3A : i32
    "tpu.region"() ({
      %run_scoped3A = tpu.sem_alloc : memref<!tpu.dma_semaphore, #tpu.memory_space<semaphore_mem>>
      %dma_start3A = arith.constant 0 : i32
      %dma_start3A_7 = tpu.memref_slice %arg11[%mul3A_0, %dma_start3A] : memref<10240x128xf32, #tpu.memory_space<vmem_shared>> -> memref<640x128xf32, #tpu.memory_space<vmem_shared>>
      %dma_start3A_8 = arith.constant 0 : i32
      %dma_start3A_9 = tpu.memref_slice %arg5[%mul3A_0, %dma_start3A_8] : memref<10240x128xf32, #tpu.memory_space<hbm>> -> memref<640x128xf32, #tpu.memory_space<hbm>>
      tpu.enqueue_dma source(%dma_start3A_9 : memref<640x128xf32, #tpu.memory_space<hbm>>) target(%dma_start3A_7 : memref<640x128xf32, #tpu.memory_space<vmem_shared>>) target_semaphore(%run_scoped3A : memref<!tpu.dma_semaphore, #tpu.memory_space<semaphore_mem>>)
      %dma_wait3A = arith.constant 0 : i32
      %dma_wait3A_10 = tpu.memref_slice %arg11[%mul3A_0, %dma_wait3A] : memref<10240x128xf32, #tpu.memory_space<vmem_shared>> -> memref<640x128xf32, #tpu.memory_space<vmem_shared>>
      %dma_wait3A_11 = arith.constant 0 : i32
      %dma_wait3A_12 = tpu.memref_slice %arg5[%mul3A_0, %dma_wait3A_11] : memref<10240x128xf32, #tpu.memory_space<hbm>> -> memref<640x128xf32, #tpu.memory_space<hbm>>
      tpu.wait_dma2 semaphore(%run_scoped3A : memref<!tpu.dma_semaphore, #tpu.memory_space<semaphore_mem>>) src(%dma_wait3A_12 : memref<640x128xf32, #tpu.memory_space<hbm>>) dst(%dma_wait3A_10 : memref<640x128xf32, #tpu.memory_space<vmem_shared>>)
      tpu.yield
    }) : () -> ()
    %barrier3A = arith.constant 0 : index
    tpu.barrier barrier_id(%barrier3A)
    %scan3A = arith.constant 0 : i32
    %scan3A_1 = arith.constant 0 : i32
    %scan3A_2 = arith.constant 4 : i32
    %scan3A_3 = arith.addi %scan3A_1, %scan3A_2 : i32
    %scan3A_4 = arith.constant 1 : i32
    scf.for %scan3A_7 = %scan3A_1 to %scan3A_3 step %scan3A_4  : i32 {
      %mul3A_8 = arith.constant 160 : i32
      %mul3A_9 = arith.muli %arg1, %mul3A_8 : i32
      %mul3A_10 = arith.constant 40 : i32
      %mul3A_11 = arith.muli %scan3A_7, %mul3A_10 : i32
      %add3A = arith.addi %mul3A_9, %mul3A_11 : i32
      "tpu.region"() ({
        %run_scoped3A = tpu.sem_alloc : memref<!tpu.dma_semaphore, #tpu.memory_space<semaphore_mem>>
        %dma_start3A_24 = arith.constant 0 : i32
        %dma_start3A_25 = tpu.memref_slice %arg3[%arg0, %add3A, %dma_start3A_24] : memref<2x2560x128xi32, #tpu.memory_space<hbm>> -> memref<1x40x128xi32, #tpu.memory_space<hbm>>
        %dma_start3A_26 = tpu.memref_squeeze %dma_start3A_25 : memref<1x40x128xi32, #tpu.memory_space<hbm>> -> memref<40x128xi32, #tpu.memory_space<hbm>>
        %dma_start3A_27 = arith.constant 0 : i32
        %dma_start3A_28 = tpu.memref_slice %arg3[%arg0, %add3A, %dma_start3A_27] : memref<2x2560x128xi32, #tpu.memory_space<hbm>> -> memref<1x40x128xi32, #tpu.memory_space<hbm>>
        %dma_start3A_29 = tpu.memref_squeeze %dma_start3A_28 : memref<1x40x128xi32, #tpu.memory_space<hbm>> -> memref<40x128xi32, #tpu.memory_space<hbm>>
        tpu.enqueue_dma source(%dma_start3A_29 : memref<40x128xi32, #tpu.memory_space<hbm>>) target(%arg7 : memref<40x128xi32, #tpu.memory_space<vmem>>) target_semaphore(%run_scoped3A : memref<!tpu.dma_semaphore, #tpu.memory_space<semaphore_mem>>)
        %dma_wait3A = arith.constant 0 : i32
        %dma_wait3A_30 = tpu.memref_slice %arg3[%arg0, %add3A, %dma_wait3A] : memref<2x2560x128xi32, #tpu.memory_space<hbm>> -> memref<1x40x128xi32, #tpu.memory_space<hbm>>
        %dma_wait3A_31 = tpu.memref_squeeze %dma_wait3A_30 : memref<1x40x128xi32, #tpu.memory_space<hbm>> -> memref<40x128xi32, #tpu.memory_space<hbm>>
        %dma_wait3A_32 = arith.constant 0 : i32
        %dma_wait3A_33 = tpu.memref_slice %arg3[%arg0, %add3A, %dma_wait3A_32] : memref<2x2560x128xi32, #tpu.memory_space<hbm>> -> memref<1x40x128xi32, #tpu.memory_space<hbm>>
        %dma_wait3A_34 = tpu.memref_squeeze %dma_wait3A_33 : memref<1x40x128xi32, #tpu.memory_space<hbm>> -> memref<40x128xi32, #tpu.memory_space<hbm>>
        tpu.wait_dma2 semaphore(%run_scoped3A : memref<!tpu.dma_semaphore, #tpu.memory_space<semaphore_mem>>) src(%dma_wait3A_34 : memref<40x128xi32, #tpu.memory_space<hbm>>) dst(%arg7 : memref<40x128xi32, #tpu.memory_space<vmem>>)
        tpu.yield
      }) : () -> ()
      "tpu.region"() ({
        %run_scoped3A = tpu.sem_alloc : memref<!tpu.dma_semaphore, #tpu.memory_space<semaphore_mem>>
        %dma_start3A_24 = arith.constant 0 : i32
        %dma_start3A_25 = tpu.memref_slice %arg4[%add3A, %dma_start3A_24] : memref<2560x128xi32, #tpu.memory_space<hbm>> -> memref<40x128xi32, #tpu.memory_space<hbm>>
        %dma_start3A_26 = arith.constant 0 : i32
        %dma_start3A_27 = tpu.memref_slice %arg4[%add3A, %dma_start3A_26] : memref<2560x128xi32, #tpu.memory_space<hbm>> -> memref<40x128xi32, #tpu.memory_space<hbm>>
        tpu.enqueue_dma source(%dma_start3A_27 : memref<40x128xi32, #tpu.memory_space<hbm>>) target(%arg8 : memref<40x128xi32, #tpu.memory_space<vmem>>) target_semaphore(%run_scoped3A : memref<!tpu.dma_semaphore, #tpu.memory_space<semaphore_mem>>)
        %dma_wait3A = arith.constant 0 : i32
        %dma_wait3A_28 = tpu.memref_slice %arg4[%add3A, %dma_wait3A] : memref<2560x128xi32, #tpu.memory_space<hbm>> -> memref<40x128xi32, #tpu.memory_space<hbm>>
        %dma_wait3A_29 = arith.constant 0 : i32
        %dma_wait3A_30 = tpu.memref_slice %arg4[%add3A, %dma_wait3A_29] : memref<2560x128xi32, #tpu.memory_space<hbm>> -> memref<40x128xi32, #tpu.memory_space<hbm>>
        tpu.wait_dma2 semaphore(%run_scoped3A : memref<!tpu.dma_semaphore, #tpu.memory_space<semaphore_mem>>) src(%dma_wait3A_30 : memref<40x128xi32, #tpu.memory_space<hbm>>) dst(%arg8 : memref<40x128xi32, #tpu.memory_space<vmem>>)
        tpu.yield
      }) : () -> ()
      %dma_start3A = arith.constant 0 : i32
      %dma_start3A_12 = arith.constant 0 : i32
      %dma_start3A_13 = tpu.memref_slice %arg7[%dma_start3A, %dma_start3A_12] : memref<40x128xi32, #tpu.memory_space<vmem>> -> memref<1x128xi32, #tpu.memory_space<vmem>>
      %dma_start3A_14 = tpu.memref_squeeze %dma_start3A_13 : memref<1x128xi32, #tpu.memory_space<vmem>> -> memref<128xi32, #tpu.memory_space<vmem>>
      %dma_start3A_15 = arith.constant 0 : i32
      %dma_start3A_16 = arith.constant 0 : i32
      %dma_start3A_17 = tpu.memref_slice %arg2[%dma_start3A_15, %dma_start3A_16] : memref<20000x128xf32, #tpu.memory_space<hbm>> -> memref<20000x128xf32, #tpu.memory_space<hbm>>
      tpu.enqueue_indirect_dma source(%dma_start3A_17 : memref<20000x128xf32, #tpu.memory_space<hbm>>) target(%arg9 : memref<128x128xf32, #tpu.memory_space<vmem>>) offsets(%dma_start3A_14 : memref<128xi32, #tpu.memory_space<vmem>>) semaphore(%arg12 : memref<!tpu.dma_semaphore, #tpu.memory_space<semaphore_mem>>)
      %scan3A_18 = arith.constant 0 : i32
      %scan3A_19 = arith.constant 0 : i32
      %scan3A_20 = arith.constant 20 : i32
      %scan3A_21 = arith.addi %scan3A_19, %scan3A_20 : i32
      %scan3A_22 = arith.constant 1 : i32
      scf.for %scan3A_24 = %scan3A_19 to %scan3A_21 step %scan3A_22  : i32 {
        %mul3A_25 = arith.constant 2 : i32
        %mul3A_26 = arith.muli %mul3A_25, %scan3A_24 : i32
        %add3A_27 = arith.constant 1 : i32
        %add3A_28 = arith.addi %mul3A_26, %add3A_27 : i32
        %dma_start3A_29 = arith.constant 0 : i32
        %dma_start3A_30 = tpu.memref_slice %arg7[%add3A_28, %dma_start3A_29] : memref<40x128xi32, #tpu.memory_space<vmem>> -> memref<1x128xi32, #tpu.memory_space<vmem>>
        %dma_start3A_31 = tpu.memref_squeeze %dma_start3A_30 : memref<1x128xi32, #tpu.memory_space<vmem>> -> memref<128xi32, #tpu.memory_space<vmem>>
        %dma_start3A_32 = arith.constant 0 : i32
        %dma_start3A_33 = arith.constant 0 : i32
        %dma_start3A_34 = tpu.memref_slice %arg2[%dma_start3A_32, %dma_start3A_33] : memref<20000x128xf32, #tpu.memory_space<hbm>> -> memref<20000x128xf32, #tpu.memory_space<hbm>>
        tpu.enqueue_indirect_dma source(%dma_start3A_34 : memref<20000x128xf32, #tpu.memory_space<hbm>>) target(%arg10 : memref<128x128xf32, #tpu.memory_space<vmem>>) offsets(%dma_start3A_31 : memref<128xi32, #tpu.memory_space<vmem>>) semaphore(%arg13 : memref<!tpu.dma_semaphore, #tpu.memory_space<semaphore_mem>>)
        %dma_wait3A = arith.constant 0 : i32
        %dma_wait3A_35 = tpu.memref_slice %arg7[%mul3A_26, %dma_wait3A] : memref<40x128xi32, #tpu.memory_space<vmem>> -> memref<1x128xi32, #tpu.memory_space<vmem>>
        %dma_wait3A_36 = tpu.memref_squeeze %dma_wait3A_35 : memref<1x128xi32, #tpu.memory_space<vmem>> -> memref<128xi32, #tpu.memory_space<vmem>>
        %dma_wait3A_37 = arith.constant 0 : i32
        %dma_wait3A_38 = arith.constant 0 : i32
        %dma_wait3A_39 = tpu.memref_slice %arg2[%dma_wait3A_37, %dma_wait3A_38] : memref<20000x128xf32, #tpu.memory_space<hbm>> -> memref<20000x128xf32, #tpu.memory_space<hbm>>
        tpu.wait_indirect_dma semaphore(%arg12 : memref<!tpu.dma_semaphore, #tpu.memory_space<semaphore_mem>>) src(%dma_wait3A_39 : memref<20000x128xf32, #tpu.memory_space<hbm>>) dst(%arg9 : memref<128x128xf32, #tpu.memory_space<vmem>>)
        "tpu.region"() ({
          %run_scoped3A = tpu.sem_alloc : memref<!tpu.dma_semaphore, #tpu.memory_space<semaphore_mem>>
          %dma_start3A_52 = arith.constant 0 : i32
          %dma_start3A_53 = tpu.memref_slice %arg8[%mul3A_26, %dma_start3A_52] : memref<40x128xi32, #tpu.memory_space<vmem>> -> memref<1x128xi32, #tpu.memory_space<vmem>>
          %dma_start3A_54 = tpu.memref_squeeze %dma_start3A_53 : memref<1x128xi32, #tpu.memory_space<vmem>> -> memref<128xi32, #tpu.memory_space<vmem>>
          %dma_start3A_55 = arith.constant 0 : i32
          %dma_start3A_56 = arith.constant 0 : i32
          %dma_start3A_57 = tpu.memref_slice %arg11[%dma_start3A_55, %dma_start3A_56] : memref<10240x128xf32, #tpu.memory_space<vmem_shared>> -> memref<10240x128xf32, #tpu.memory_space<vmem_shared>>
          tpu.enqueue_indirect_dma source(%arg9 : memref<128x128xf32, #tpu.memory_space<vmem>>) target(%dma_start3A_57 : memref<10240x128xf32, #tpu.memory_space<vmem_shared>>) offsets(%dma_start3A_54 : memref<128xi32, #tpu.memory_space<vmem>>) semaphore(%run_scoped3A : memref<!tpu.dma_semaphore, #tpu.memory_space<semaphore_mem>>) {add = true}
          %dma_wait3A_58 = arith.constant 0 : i32
          %dma_wait3A_59 = tpu.memref_slice %arg8[%mul3A_26, %dma_wait3A_58] : memref<40x128xi32, #tpu.memory_space<vmem>> -> memref<1x128xi32, #tpu.memory_space<vmem>>
          %dma_wait3A_60 = tpu.memref_squeeze %dma_wait3A_59 : memref<1x128xi32, #tpu.memory_space<vmem>> -> memref<128xi32, #tpu.memory_space<vmem>>
          %dma_wait3A_61 = arith.constant 0 : i32
          %dma_wait3A_62 = arith.constant 0 : i32
          %dma_wait3A_63 = tpu.memref_slice %arg11[%dma_wait3A_61, %dma_wait3A_62] : memref<10240x128xf32, #tpu.memory_space<vmem_shared>> -> memref<10240x128xf32, #tpu.memory_space<vmem_shared>>
          tpu.wait_indirect_dma semaphore(%run_scoped3A : memref<!tpu.dma_semaphore, #tpu.memory_space<semaphore_mem>>) src(%arg9 : memref<128x128xf32, #tpu.memory_space<vmem>>) dst(%dma_wait3A_63 : memref<10240x128xf32, #tpu.memory_space<vmem_shared>>)
          tpu.yield
        }) : () -> ()
        %lt3A = arith.constant 19 : i32
        %lt3A_40 = arith.cmpi slt, %scan3A_24, %lt3A : i32
        %convert_element_type3A = arith.extui %lt3A_40 : i1 to i32
        %cond3A = arith.constant 0 : i32
        %cond3A_41 = arith.cmpi ne, %convert_element_type3A, %cond3A : i32
        scf.if %cond3A_41 {
          %add3A_52 = arith.constant 2 : i32
          %add3A_53 = arith.addi %mul3A_26, %add3A_52 : i32
          %dma_start3A_54 = arith.constant 0 : i32
          %dma_start3A_55 = tpu.memref_slice %arg7[%add3A_53, %dma_start3A_54] : memref<40x128xi32, #tpu.memory_space<vmem>> -> memref<1x128xi32, #tpu.memory_space<vmem>>
          %dma_start3A_56 = tpu.memref_squeeze %dma_start3A_55 : memref<1x128xi32, #tpu.memory_space<vmem>> -> memref<128xi32, #tpu.memory_space<vmem>>
          %dma_start3A_57 = arith.constant 0 : i32
          %dma_start3A_58 = arith.constant 0 : i32
          %dma_start3A_59 = tpu.memref_slice %arg2[%dma_start3A_57, %dma_start3A_58] : memref<20000x128xf32, #tpu.memory_space<hbm>> -> memref<20000x128xf32, #tpu.memory_space<hbm>>
          tpu.enqueue_indirect_dma source(%dma_start3A_59 : memref<20000x128xf32, #tpu.memory_space<hbm>>) target(%arg9 : memref<128x128xf32, #tpu.memory_space<vmem>>) offsets(%dma_start3A_56 : memref<128xi32, #tpu.memory_space<vmem>>) semaphore(%arg12 : memref<!tpu.dma_semaphore, #tpu.memory_space<semaphore_mem>>)
        } else {
        }
        %add3A_42 = arith.constant 1 : i32
        %add3A_43 = arith.addi %mul3A_26, %add3A_42 : i32
        %dma_wait3A_44 = arith.constant 0 : i32
        %dma_wait3A_45 = tpu.memref_slice %arg7[%add3A_43, %dma_wait3A_44] : memref<40x128xi32, #tpu.memory_space<vmem>> -> memref<1x128xi32, #tpu.memory_space<vmem>>
        %dma_wait3A_46 = tpu.memref_squeeze %dma_wait3A_45 : memref<1x128xi32, #tpu.memory_space<vmem>> -> memref<128xi32, #tpu.memory_space<vmem>>
        %dma_wait3A_47 = arith.constant 0 : i32
        %dma_wait3A_48 = arith.constant 0 : i32
        %dma_wait3A_49 = tpu.memref_slice %arg2[%dma_wait3A_47, %dma_wait3A_48] : memref<20000x128xf32, #tpu.memory_space<hbm>> -> memref<20000x128xf32, #tpu.memory_space<hbm>>
        tpu.wait_indirect_dma semaphore(%arg13 : memref<!tpu.dma_semaphore, #tpu.memory_space<semaphore_mem>>) src(%dma_wait3A_49 : memref<20000x128xf32, #tpu.memory_space<hbm>>) dst(%arg10 : memref<128x128xf32, #tpu.memory_space<vmem>>)
        %add3A_50 = arith.constant 1 : i32
        %add3A_51 = arith.addi %mul3A_26, %add3A_50 : i32
        "tpu.region"() ({
          %run_scoped3A = tpu.sem_alloc : memref<!tpu.dma_semaphore, #tpu.memory_space<semaphore_mem>>
          %dma_start3A_52 = arith.constant 0 : i32
          %dma_start3A_53 = tpu.memref_slice %arg8[%add3A_51, %dma_start3A_52] : memref<40x128xi32, #tpu.memory_space<vmem>> -> memref<1x128xi32, #tpu.memory_space<vmem>>
          %dma_start3A_54 = tpu.memref_squeeze %dma_start3A_53 : memref<1x128xi32, #tpu.memory_space<vmem>> -> memref<128xi32, #tpu.memory_space<vmem>>
          %dma_start3A_55 = arith.constant 0 : i32
          %dma_start3A_56 = arith.constant 0 : i32
          %dma_start3A_57 = tpu.memref_slice %arg11[%dma_start3A_55, %dma_start3A_56] : memref<10240x128xf32, #tpu.memory_space<vmem_shared>> -> memref<10240x128xf32, #tpu.memory_space<vmem_shared>>
          tpu.enqueue_indirect_dma source(%arg10 : memref<128x128xf32, #tpu.memory_space<vmem>>) target(%dma_start3A_57 : memref<10240x128xf32, #tpu.memory_space<vmem_shared>>) offsets(%dma_start3A_54 : memref<128xi32, #tpu.memory_space<vmem>>) semaphore(%run_scoped3A : memref<!tpu.dma_semaphore, #tpu.memory_space<semaphore_mem>>) {add = true}
          %dma_wait3A_58 = arith.constant 0 : i32
          %dma_wait3A_59 = tpu.memref_slice %arg8[%add3A_51, %dma_wait3A_58] : memref<40x128xi32, #tpu.memory_space<vmem>> -> memref<1x128xi32, #tpu.memory_space<vmem>>
          %dma_wait3A_60 = tpu.memref_squeeze %dma_wait3A_59 : memref<1x128xi32, #tpu.memory_space<vmem>> -> memref<128xi32, #tpu.memory_space<vmem>>
          %dma_wait3A_61 = arith.constant 0 : i32
          %dma_wait3A_62 = arith.constant 0 : i32
          %dma_wait3A_63 = tpu.memref_slice %arg11[%dma_wait3A_61, %dma_wait3A_62] : memref<10240x128xf32, #tpu.memory_space<vmem_shared>> -> memref<10240x128xf32, #tpu.memory_space<vmem_shared>>
          tpu.wait_indirect_dma semaphore(%run_scoped3A : memref<!tpu.dma_semaphore, #tpu.memory_space<semaphore_mem>>) src(%arg10 : memref<128x128xf32, #tpu.memory_space<vmem>>) dst(%dma_wait3A_63 : memref<10240x128xf32, #tpu.memory_space<vmem_shared>>)
          tpu.yield
        }) : () -> ()
      }
      %scan3A_23 = arith.constant 20 : i32
    }
    %scan3A_5 = arith.constant 4 : i32
    %barrier3A_6 = arith.constant 0 : index
    tpu.barrier barrier_id(%barrier3A_6)
    "tpu.region"() ({
      %run_scoped3A = tpu.sem_alloc : memref<!tpu.dma_semaphore, #tpu.memory_space<semaphore_mem>>
      %dma_start3A = arith.constant 0 : i32
      %dma_start3A_7 = tpu.memref_slice %arg6[%arg0, %mul3A_0, %dma_start3A] : memref<2x10240x128xf32, #tpu.memory_space<hbm>> -> memref<1x640x128xf32, #tpu.memory_space<hbm>>
      %dma_start3A_8 = tpu.memref_squeeze %dma_start3A_7 : memref<1x640x128xf32, #tpu.memory_space<hbm>> -> memref<640x128xf32, #tpu.memory_space<hbm>>
      %dma_start3A_9 = arith.constant 0 : i32
      %dma_start3A_10 = tpu.memref_slice %arg11[%mul3A_0, %dma_start3A_9] : memref<10240x128xf32, #tpu.memory_space<vmem_shared>> -> memref<640x128xf32, #tpu.memory_space<vmem_shared>>
      tpu.enqueue_dma source(%dma_start3A_10 : memref<640x128xf32, #tpu.memory_space<vmem_shared>>) target(%dma_start3A_8 : memref<640x128xf32, #tpu.memory_space<hbm>>) target_semaphore(%run_scoped3A : memref<!tpu.dma_semaphore, #tpu.memory_space<semaphore_mem>>)
      %dma_wait3A = arith.constant 0 : i32
      %dma_wait3A_11 = tpu.memref_slice %arg6[%arg0, %mul3A_0, %dma_wait3A] : memref<2x10240x128xf32, #tpu.memory_space<hbm>> -> memref<1x640x128xf32, #tpu.memory_space<hbm>>
      %dma_wait3A_12 = tpu.memref_squeeze %dma_wait3A_11 : memref<1x640x128xf32, #tpu.memory_space<hbm>> -> memref<640x128xf32, #tpu.memory_space<hbm>>
      %dma_wait3A_13 = arith.constant 0 : i32
      %dma_wait3A_14 = tpu.memref_slice %arg11[%mul3A_0, %dma_wait3A_13] : memref<10240x128xf32, #tpu.memory_space<vmem_shared>> -> memref<640x128xf32, #tpu.memory_space<vmem_shared>>
      tpu.wait_dma2 semaphore(%run_scoped3A : memref<!tpu.dma_semaphore, #tpu.memory_space<semaphore_mem>>) src(%dma_wait3A_14 : memref<640x128xf32, #tpu.memory_space<vmem_shared>>) dst(%dma_wait3A_12 : memref<640x128xf32, #tpu.memory_space<hbm>>)
      tpu.yield
    }) : () -> ()
    return
  }
}

module attributes {stable_mosaic.version = 14 : i64} {
  func.func @_pre_body(%arg0: i32, %arg1: memref<2000x128xf32, #tpu.memory_space<vmem>>, %arg2: memref<1x1xf32, #tpu.memory_space<vmem>>, %arg3: memref<2x2000x128xf32, #tpu.memory_space<vmem>>) attributes {dimension_semantics = [#tpu.dimension_semantics<arbitrary>], iteration_bounds = array<i64: 5>, scalar_prefetch = 0 : i64, scratch_operands = 0 : i64, tpu.core_type = #tpu.core_type<tc>, window_params = [{transform_indices = @transform_0, window_bounds = array<i64: 2000, 128>}, {pipeline_mode = #tpu.pipeline_mode<synchronous>, transform_indices = @transform_1, window_bounds = array<i64: 1, 1>}, {transform_indices = @transform_2, window_bounds = array<i64: 2, 2000, 128>}]} {
    %get3A = arith.constant 0 : index
    %get3A_0 = arith.constant 0 : index
    %get3A_1 = vector.load %arg1[%get3A, %get3A_0] : memref<2000x128xf32, #tpu.memory_space<vmem>>, vector<2000x128xf32>
    %get3A_2 = arith.constant 0 : index
    %get3A_3 = arith.constant 0 : index
    %get3A_4 = vector.load %arg2[%get3A_2, %get3A_3] : memref<1x1xf32, #tpu.memory_space<vmem>>, vector<1x1xf32>
    %get3A_5 = vector.extract %get3A_4[0, 0] : f32 from vector<1x1xf32>
    %max3A = arith.constant 0.000000e+00 : f32
    %max3A_6 = vector.broadcast %max3A : f32 to vector<2000x128xf32>
    %max3A_7 = arith.maximumf %get3A_1, %max3A_6 : vector<2000x128xf32>
    %add3A = arith.constant 1.000000e-07 : f32
    %add3A_8 = vector.broadcast %add3A : f32 to vector<2000x128xf32>
    %add3A_9 = arith.addf %max3A_7, %add3A_8 : vector<2000x128xf32>
    %mul3A = vector.broadcast %get3A_5 : f32 to vector<2000x128xf32>
    %mul3A_10 = arith.mulf %add3A_9, %mul3A : vector<2000x128xf32>
    %exp3A = math.exp %mul3A_10 : vector<2000x128xf32>
    %swap3A = arith.constant 0 : index
    %swap3A_11 = arith.constant 0 : index
    %swap3A_12 = arith.constant 0 : index
    %swap3A_13 = vector.load %arg3[%swap3A, %swap3A_11, %swap3A_12] : memref<2x2000x128xf32, #tpu.memory_space<vmem>>, vector<1x2000x128xf32>
    %swap3A_14 = vector.shape_cast %swap3A_13 : vector<1x2000x128xf32> to vector<2000x128xf32>
    %swap3A_15 = vector.shape_cast %exp3A : vector<2000x128xf32> to vector<1x2000x128xf32>
    tpu.vector_store %arg3[%swap3A, %swap3A_11, %swap3A_12], %swap3A_15 {strides = array<i32>} : memref<2x2000x128xf32, #tpu.memory_space<vmem>>, vector<1x2000x128xf32>,
    %mul3A_16 = arith.mulf %add3A_9, %exp3A : vector<2000x128xf32>
    %swap3A_17 = arith.constant 1 : index
    %swap3A_18 = arith.constant 0 : index
    %swap3A_19 = arith.constant 0 : index
    %swap3A_20 = vector.load %arg3[%swap3A_17, %swap3A_18, %swap3A_19] : memref<2x2000x128xf32, #tpu.memory_space<vmem>>, vector<1x2000x128xf32>
    %swap3A_21 = vector.shape_cast %swap3A_20 : vector<1x2000x128xf32> to vector<2000x128xf32>
    %swap3A_22 = vector.shape_cast %mul3A_16 : vector<2000x128xf32> to vector<1x2000x128xf32>
    tpu.vector_store %arg3[%swap3A_17, %swap3A_18, %swap3A_19], %swap3A_22 {strides = array<i32>} : memref<2x2000x128xf32, #tpu.memory_space<vmem>>, vector<1x2000x128xf32>,
    return
  }
  func.func @transform_0(%arg0: i32) -> (i32, i32) {
    %c0_i32 = arith.constant 0 : i32
    %c0_i32_0 = arith.constant 0 : i32
    return %arg0, %c0_i32 : i32, i32
  }
  func.func @transform_1(%arg0: i32) -> (i32, i32) {
    %c0_i32 = arith.constant 0 : i32
    %c0_i32_0 = arith.constant 0 : i32
    %c0_i32_1 = arith.constant 0 : i32
    return %c0_i32, %c0_i32_0 : i32, i32
  }
  func.func @transform_2(%arg0: i32) -> (i32, i32, i32) {
    %c0_i32 = arith.constant 0 : i32
    %c0_i32_0 = arith.constant 0 : i32
    %c0_i32_1 = arith.constant 0 : i32
    return %c0_i32, %arg0, %c0_i32_0 : i32, i32, i32
  }
}

module attributes {stable_mosaic.version = 14 : i64} {
  func.func @_stage0_body(%arg0: i32, %arg1: memref<2x2000x128xf32, #tpu.memory_space<vmem>>, %arg2: memref<2000x128xf32, #tpu.memory_space<vmem>>, %arg3: memref<1x1xf32, #tpu.memory_space<vmem>>, %arg4: memref<128x256xf32, #tpu.memory_space<vmem>>, %arg5: memref<1x256xf32, #tpu.memory_space<vmem>>, %arg6: memref<1x256xf32, #tpu.memory_space<vmem>>, %arg7: memref<1x256xf32, #tpu.memory_space<vmem>>, %arg8: memref<256x128xf32, #tpu.memory_space<vmem>>, %arg9: memref<1x128xf32, #tpu.memory_space<vmem>>, %arg10: memref<2000x128xf32, #tpu.memory_space<vmem>>, %arg11: memref<2x2000x128xf32, #tpu.memory_space<vmem>>) attributes {dimension_semantics = [#tpu.dimension_semantics<arbitrary>], iteration_bounds = array<i64: 5>, scalar_prefetch = 0 : i64, scratch_operands = 0 : i64, tpu.core_type = #tpu.core_type<tc>, window_params = [{transform_indices = @transform_0, window_bounds = array<i64: 2, 2000, 128>}, {transform_indices = @transform_1, window_bounds = array<i64: 2000, 128>}, {pipeline_mode = #tpu.pipeline_mode<synchronous>, transform_indices = @transform_2, window_bounds = array<i64: 1, 1>}, {pipeline_mode = #tpu.pipeline_mode<synchronous>, transform_indices = @transform_3, window_bounds = array<i64: 128, 256>}, {pipeline_mode = #tpu.pipeline_mode<synchronous>, transform_indices = @transform_4, window_bounds = array<i64: 1, 256>}, {pipeline_mode = #tpu.pipeline_mode<synchronous>, transform_indices = @transform_5, window_bounds = array<i64: 1, 256>}, {pipeline_mode = #tpu.pipeline_mode<synchronous>, transform_indices = @transform_6, window_bounds = array<i64: 1, 256>}, {pipeline_mode = #tpu.pipeline_mode<synchronous>, transform_indices = @transform_7, window_bounds = array<i64: 256, 128>}, {pipeline_mode = #tpu.pipeline_mode<synchronous>, transform_indices = @transform_8, window_bounds = array<i64: 1, 128>}, {transform_indices = @transform_9, window_bounds = array<i64: 2000, 128>}, {transform_indices = @transform_10, window_bounds = array<i64: 2, 2000, 128>}]} {
    %get3A = arith.constant 1 : index
    %get3A_0 = arith.constant 0 : index
    %get3A_1 = arith.constant 0 : index
    %get3A_2 = vector.load %arg1[%get3A, %get3A_0, %get3A_1] : memref<2x2000x128xf32, #tpu.memory_space<vmem>>, vector<1x2000x128xf32>
    %get3A_3 = vector.shape_cast %get3A_2 : vector<1x2000x128xf32> to vector<2000x128xf32>
    %get3A_4 = arith.constant 0 : index
    %get3A_5 = arith.constant 0 : index
    %get3A_6 = arith.constant 0 : index
    %get3A_7 = vector.load %arg1[%get3A_4, %get3A_5, %get3A_6] : memref<2x2000x128xf32, #tpu.memory_space<vmem>>, vector<1x2000x128xf32>
    %get3A_8 = vector.shape_cast %get3A_7 : vector<1x2000x128xf32> to vector<2000x128xf32>
    %add3A = arith.constant 1.000000e-16 : f32
    %add3A_9 = vector.broadcast %add3A : f32 to vector<2000x128xf32>
    %add3A_10 = arith.addf %get3A_8, %add3A_9 : vector<2000x128xf32>
    %div3A = arith.divf %get3A_3, %add3A_10 : vector<2000x128xf32>
    %get3A_11 = arith.constant 0 : index
    %get3A_12 = arith.constant 0 : index
    %get3A_13 = vector.load %arg2[%get3A_11, %get3A_12] : memref<2000x128xf32, #tpu.memory_space<vmem>>, vector<2000x128xf32>
    %add3A_14 = arith.addf %div3A, %get3A_13 : vector<2000x128xf32>
    %get3A_15 = arith.constant 0 : index
    %get3A_16 = arith.constant 0 : index
    %get3A_17 = vector.load %arg4[%get3A_15, %get3A_16] : memref<128x256xf32, #tpu.memory_space<vmem>>, vector<128x256xf32>
    %dot_general3A = arith.constant dense<0.000000e+00> : vector<2000x256xf32>
    %dot_general3A_18 = tpu.matmul %add3A_14, %get3A_17, %dot_general3A {dimension_numbers = #tpu.dot_dimension_numbers<[1], [0], [0], [1], [0, 0, 1, 1], [], []>, transpose_lhs_hint = false} : vector<2000x128xf32>, vector<128x256xf32>, vector<2000x256xf32> -> vector<2000x256xf32>
    %get3A_19 = arith.constant 0 : index
    %get3A_20 = arith.constant 0 : index
    %get3A_21 = vector.load %arg5[%get3A_19, %get3A_20] : memref<1x256xf32, #tpu.memory_space<vmem>>, vector<1x256xf32>
    %add3A_22 = vector.broadcast %get3A_21 : vector<1x256xf32> to vector<2000x256xf32>
    %add3A_23 = arith.addf %dot_general3A_18, %add3A_22 : vector<2000x256xf32>
    %get3A_24 = arith.constant 0 : index
    %get3A_25 = arith.constant 0 : index
    %get3A_26 = vector.load %arg6[%get3A_24, %get3A_25] : memref<1x256xf32, #tpu.memory_space<vmem>>, vector<1x256xf32>
    %get3A_27 = arith.constant 0 : index
    %get3A_28 = arith.constant 0 : index
    %get3A_29 = vector.load %arg7[%get3A_27, %get3A_28] : memref<1x256xf32, #tpu.memory_space<vmem>>, vector<1x256xf32>
    %reduce_sum3A = arith.constant dense<0.000000e+00> : vector<2000xf32>
    %reduce_sum3A_30 = vector.multi_reduction <add>, %add3A_23, %reduce_sum3A [1] : vector<2000x256xf32> to vector<2000xf32>
    %broadcast_in_dim3A = vector.shape_cast %reduce_sum3A_30 : vector<2000xf32> to vector<2000x1xf32>
    %div3A_31 = arith.constant 2.560000e+02 : f32
    %div3A_32 = vector.broadcast %div3A_31 : f32 to vector<2000x1xf32>
    %div3A_33 = arith.divf %broadcast_in_dim3A, %div3A_32 : vector<2000x1xf32>
    %sub3A = vector.broadcast %div3A_33 : vector<2000x1xf32> to vector<2000x256xf32>
    %sub3A_34 = arith.subf %add3A_23, %sub3A : vector<2000x256xf32>
    %integer_pow3A = arith.mulf %sub3A_34, %sub3A_34 : vector<2000x256xf32>
    %reduce_sum3A_35 = arith.constant dense<0.000000e+00> : vector<2000xf32>
    %reduce_sum3A_36 = vector.multi_reduction <add>, %integer_pow3A, %reduce_sum3A_35 [1] : vector<2000x256xf32> to vector<2000xf32>
    %broadcast_in_dim3A_37 = vector.shape_cast %reduce_sum3A_36 : vector<2000xf32> to vector<2000x1xf32>
    %div3A_38 = arith.constant 2.560000e+02 : f32
    %div3A_39 = vector.broadcast %div3A_38 : f32 to vector<2000x1xf32>
    %div3A_40 = arith.divf %broadcast_in_dim3A_37, %div3A_39 : vector<2000x1xf32>
    %sub3A_41 = vector.broadcast %div3A_33 : vector<2000x1xf32> to vector<2000x256xf32>
    %sub3A_42 = arith.subf %add3A_23, %sub3A_41 : vector<2000x256xf32>
    %add3A_43 = arith.constant 9.99999974E-6 : f32
    %add3A_44 = vector.broadcast %add3A_43 : f32 to vector<2000x1xf32>
    %add3A_45 = arith.addf %div3A_40, %add3A_44 : vector<2000x1xf32>
    %sqrt3A = math.sqrt %add3A_45 : vector<2000x1xf32>
    %div3A_46 = vector.broadcast %sqrt3A : vector<2000x1xf32> to vector<2000x256xf32>
    %div3A_47 = arith.divf %sub3A_42, %div3A_46 : vector<2000x256xf32>
    %mul3A = vector.broadcast %get3A_26 : vector<1x256xf32> to vector<2000x256xf32>
    %mul3A_48 = arith.mulf %div3A_47, %mul3A : vector<2000x256xf32>
    %add3A_49 = vector.broadcast %get3A_29 : vector<1x256xf32> to vector<2000x256xf32>
    %add3A_50 = arith.addf %mul3A_48, %add3A_49 : vector<2000x256xf32>
    %max3A = arith.constant 0.000000e+00 : f32
    %max3A_51 = vector.broadcast %max3A : f32 to vector<2000x256xf32>
    %max3A_52 = arith.maximumf %add3A_50, %max3A_51 : vector<2000x256xf32>
    %get3A_53 = arith.constant 0 : index
    %get3A_54 = arith.constant 0 : index
    %get3A_55 = vector.load %arg8[%get3A_53, %get3A_54] : memref<256x128xf32, #tpu.memory_space<vmem>>, vector<256x128xf32>
    %dot_general3A_56 = arith.constant dense<0.000000e+00> : vector<2000x128xf32>
    %dot_general3A_57 = tpu.matmul %max3A_52, %get3A_55, %dot_general3A_56 {dimension_numbers = #tpu.dot_dimension_numbers<[1], [0], [0], [1], [0, 0, 1, 1], [], []>, transpose_lhs_hint = false} : vector<2000x256xf32>, vector<256x128xf32>, vector<2000x128xf32> -> vector<2000x128xf32>
    %get3A_58 = arith.constant 0 : index
    %get3A_59 = arith.constant 0 : index
    %get3A_60 = vector.load %arg9[%get3A_58, %get3A_59] : memref<1x128xf32, #tpu.memory_space<vmem>>, vector<1x128xf32>
    %add3A_61 = vector.broadcast %get3A_60 : vector<1x128xf32> to vector<2000x128xf32>
    %add3A_62 = arith.addf %dot_general3A_57, %add3A_61 : vector<2000x128xf32>
    %swap3A = arith.constant 0 : index
    %swap3A_63 = arith.constant 0 : index
    %swap3A_64 = vector.load %arg10[%swap3A, %swap3A_63] : memref<2000x128xf32, #tpu.memory_space<vmem>>, vector<2000x128xf32>
    tpu.vector_store %arg10[%swap3A, %swap3A_63], %add3A_62 {strides = array<i32>} : memref<2000x128xf32, #tpu.memory_space<vmem>>, vector<2000x128xf32>,
    %get3A_65 = arith.constant 0 : index
    %get3A_66 = arith.constant 0 : index
    %get3A_67 = vector.load %arg3[%get3A_65, %get3A_66] : memref<1x1xf32, #tpu.memory_space<vmem>>, vector<1x1xf32>
    %get3A_68 = vector.extract %get3A_67[0, 0] : f32 from vector<1x1xf32>
    %max3A_69 = arith.constant 0.000000e+00 : f32
    %max3A_70 = vector.broadcast %max3A_69 : f32 to vector<2000x128xf32>
    %max3A_71 = arith.maximumf %add3A_62, %max3A_70 : vector<2000x128xf32>
    %add3A_72 = arith.constant 1.000000e-07 : f32
    %add3A_73 = vector.broadcast %add3A_72 : f32 to vector<2000x128xf32>
    %add3A_74 = arith.addf %max3A_71, %add3A_73 : vector<2000x128xf32>
    %mul3A_75 = vector.broadcast %get3A_68 : f32 to vector<2000x128xf32>
    %mul3A_76 = arith.mulf %add3A_74, %mul3A_75 : vector<2000x128xf32>
    %exp3A = math.exp %mul3A_76 : vector<2000x128xf32>
    %swap3A_77 = arith.constant 0 : index
    %swap3A_78 = arith.constant 0 : index
    %swap3A_79 = arith.constant 0 : index
    %swap3A_80 = vector.load %arg11[%swap3A_77, %swap3A_78, %swap3A_79] : memref<2x2000x128xf32, #tpu.memory_space<vmem>>, vector<1x2000x128xf32>
    %swap3A_81 = vector.shape_cast %swap3A_80 : vector<1x2000x128xf32> to vector<2000x128xf32>
    %swap3A_82 = vector.shape_cast %exp3A : vector<2000x128xf32> to vector<1x2000x128xf32>
    tpu.vector_store %arg11[%swap3A_77, %swap3A_78, %swap3A_79], %swap3A_82 {strides = array<i32>} : memref<2x2000x128xf32, #tpu.memory_space<vmem>>, vector<1x2000x128xf32>,
    %mul3A_83 = arith.mulf %add3A_74, %exp3A : vector<2000x128xf32>
    %swap3A_84 = arith.constant 1 : index
    %swap3A_85 = arith.constant 0 : index
    %swap3A_86 = arith.constant 0 : index
    %swap3A_87 = vector.load %arg11[%swap3A_84, %swap3A_85, %swap3A_86] : memref<2x2000x128xf32, #tpu.memory_space<vmem>>, vector<1x2000x128xf32>
    %swap3A_88 = vector.shape_cast %swap3A_87 : vector<1x2000x128xf32> to vector<2000x128xf32>
    %swap3A_89 = vector.shape_cast %mul3A_83 : vector<2000x128xf32> to vector<1x2000x128xf32>
    tpu.vector_store %arg11[%swap3A_84, %swap3A_85, %swap3A_86], %swap3A_89 {strides = array<i32>} : memref<2x2000x128xf32, #tpu.memory_space<vmem>>, vector<1x2000x128xf32>,
    return
  }
  func.func @transform_0(%arg0: i32) -> (i32, i32, i32) {
    %c0_i32 = arith.constant 0 : i32
    %c0_i32_0 = arith.constant 0 : i32
    %c0_i32_1 = arith.constant 0 : i32
    return %c0_i32, %arg0, %c0_i32_0 : i32, i32, i32
  }
  func.func @transform_1(%arg0: i32) -> (i32, i32) {
    %c0_i32 = arith.constant 0 : i32
    %c0_i32_0 = arith.constant 0 : i32
    return %arg0, %c0_i32 : i32, i32
  }
  func.func @transform_2(%arg0: i32) -> (i32, i32) {
    %c0_i32 = arith.constant 0 : i32
    %c0_i32_0 = arith.constant 0 : i32
    %c0_i32_1 = arith.constant 0 : i32
    return %c0_i32, %c0_i32_0 : i32, i32
  }
  func.func @transform_3(%arg0: i32) -> (i32, i32) {
    %c0_i32 = arith.constant 0 : i32
    %c0_i32_0 = arith.constant 0 : i32
    %c0_i32_1 = arith.constant 0 : i32
    return %c0_i32, %c0_i32_0 : i32, i32
  }
  func.func @transform_4(%arg0: i32) -> (i32, i32) {
    %c0_i32 = arith.constant 0 : i32
    %c0_i32_0 = arith.constant 0 : i32
    %c0_i32_1 = arith.constant 0 : i32
    return %c0_i32, %c0_i32_0 : i32, i32
  }
  func.func @transform_5(%arg0: i32) -> (i32, i32) {
    %c0_i32 = arith.constant 0 : i32
    %c0_i32_0 = arith.constant 0 : i32
    %c0_i32_1 = arith.constant 0 : i32
    return %c0_i32, %c0_i32_0 : i32, i32
  }
  func.func @transform_6(%arg0: i32) -> (i32, i32) {
    %c0_i32 = arith.constant 0 : i32
    %c0_i32_0 = arith.constant 0 : i32
    %c0_i32_1 = arith.constant 0 : i32
    return %c0_i32, %c0_i32_0 : i32, i32
  }
  func.func @transform_7(%arg0: i32) -> (i32, i32) {
    %c0_i32 = arith.constant 0 : i32
    %c0_i32_0 = arith.constant 0 : i32
    %c0_i32_1 = arith.constant 0 : i32
    return %c0_i32, %c0_i32_0 : i32, i32
  }
  func.func @transform_8(%arg0: i32) -> (i32, i32) {
    %c0_i32 = arith.constant 0 : i32
    %c0_i32_0 = arith.constant 0 : i32
    %c0_i32_1 = arith.constant 0 : i32
    return %c0_i32, %c0_i32_0 : i32, i32
  }
  func.func @transform_9(%arg0: i32) -> (i32, i32) {
    %c0_i32 = arith.constant 0 : i32
    %c0_i32_0 = arith.constant 0 : i32
    return %arg0, %c0_i32 : i32, i32
  }
  func.func @transform_10(%arg0: i32) -> (i32, i32, i32) {
    %c0_i32 = arith.constant 0 : i32
    %c0_i32_0 = arith.constant 0 : i32
    %c0_i32_1 = arith.constant 0 : i32
    return %c0_i32, %arg0, %c0_i32_0 : i32, i32, i32
  }
}

module attributes {stable_mosaic.version = 14 : i64} {
  func.func @_stage1_body(%arg0: i32, %arg1: memref<2x2000x128xf32, #tpu.memory_space<vmem>>, %arg2: memref<2000x128xf32, #tpu.memory_space<vmem>>, %arg3: memref<1x1xf32, #tpu.memory_space<vmem>>, %arg4: memref<128x256xf32, #tpu.memory_space<vmem>>, %arg5: memref<1x256xf32, #tpu.memory_space<vmem>>, %arg6: memref<1x256xf32, #tpu.memory_space<vmem>>, %arg7: memref<1x256xf32, #tpu.memory_space<vmem>>, %arg8: memref<256x128xf32, #tpu.memory_space<vmem>>, %arg9: memref<1x128xf32, #tpu.memory_space<vmem>>, %arg10: memref<1x128xf32, #tpu.memory_space<vmem>>, %arg11: memref<1x128xf32, #tpu.memory_space<vmem>>, %arg12: memref<2000x128xf32, #tpu.memory_space<vmem>>, %arg13: memref<2x2000x128xf32, #tpu.memory_space<vmem>>) attributes {dimension_semantics = [#tpu.dimension_semantics<arbitrary>], iteration_bounds = array<i64: 5>, scalar_prefetch = 0 : i64, scratch_operands = 0 : i64, tpu.core_type = #tpu.core_type<tc>, window_params = [{transform_indices = @transform_0, window_bounds = array<i64: 2, 2000, 128>}, {transform_indices = @transform_1, window_bounds = array<i64: 2000, 128>}, {pipeline_mode = #tpu.pipeline_mode<synchronous>, transform_indices = @transform_2, window_bounds = array<i64: 1, 1>}, {pipeline_mode = #tpu.pipeline_mode<synchronous>, transform_indices = @transform_3, window_bounds = array<i64: 128, 256>}, {pipeline_mode = #tpu.pipeline_mode<synchronous>, transform_indices = @transform_4, window_bounds = array<i64: 1, 256>}, {pipeline_mode = #tpu.pipeline_mode<synchronous>, transform_indices = @transform_5, window_bounds = array<i64: 1, 256>}, {pipeline_mode = #tpu.pipeline_mode<synchronous>, transform_indices = @transform_6, window_bounds = array<i64: 1, 256>}, {pipeline_mode = #tpu.pipeline_mode<synchronous>, transform_indices = @transform_7, window_bounds = array<i64: 256, 128>}, {pipeline_mode = #tpu.pipeline_mode<synchronous>, transform_indices = @transform_8, window_bounds = array<i64: 1, 128>}, {pipeline_mode = #tpu.pipeline_mode<synchronous>, transform_indices = @transform_9, window_bounds = array<i64: 1, 128>}, {pipeline_mode = #tpu.pipeline_mode<synchronous>, transform_indices = @transform_10, window_bounds = array<i64: 1, 128>}, {transform_indices = @transform_11, window_bounds = array<i64: 2000, 128>}, {transform_indices = @transform_12, window_bounds = array<i64: 2, 2000, 128>}]} {
    %get3A = arith.constant 1 : index
    %get3A_0 = arith.constant 0 : index
    %get3A_1 = arith.constant 0 : index
    %get3A_2 = vector.load %arg1[%get3A, %get3A_0, %get3A_1] : memref<2x2000x128xf32, #tpu.memory_space<vmem>>, vector<1x2000x128xf32>
    %get3A_3 = vector.shape_cast %get3A_2 : vector<1x2000x128xf32> to vector<2000x128xf32>
    %get3A_4 = arith.constant 0 : index
    %get3A_5 = arith.constant 0 : index
    %get3A_6 = arith.constant 0 : index
    %get3A_7 = vector.load %arg1[%get3A_4, %get3A_5, %get3A_6] : memref<2x2000x128xf32, #tpu.memory_space<vmem>>, vector<1x2000x128xf32>
    %get3A_8 = vector.shape_cast %get3A_7 : vector<1x2000x128xf32> to vector<2000x128xf32>
    %add3A = arith.constant 1.000000e-16 : f32
    %add3A_9 = vector.broadcast %add3A : f32 to vector<2000x128xf32>
    %add3A_10 = arith.addf %get3A_8, %add3A_9 : vector<2000x128xf32>
    %div3A = arith.divf %get3A_3, %add3A_10 : vector<2000x128xf32>
    %get3A_11 = arith.constant 0 : index
    %get3A_12 = arith.constant 0 : index
    %get3A_13 = vector.load %arg2[%get3A_11, %get3A_12] : memref<2000x128xf32, #tpu.memory_space<vmem>>, vector<2000x128xf32>
    %add3A_14 = arith.addf %div3A, %get3A_13 : vector<2000x128xf32>
    %get3A_15 = arith.constant 0 : index
    %get3A_16 = arith.constant 0 : index
    %get3A_17 = vector.load %arg4[%get3A_15, %get3A_16] : memref<128x256xf32, #tpu.memory_space<vmem>>, vector<128x256xf32>
    %dot_general3A = arith.constant dense<0.000000e+00> : vector<2000x256xf32>
    %dot_general3A_18 = tpu.matmul %add3A_14, %get3A_17, %dot_general3A {dimension_numbers = #tpu.dot_dimension_numbers<[1], [0], [0], [1], [0, 0, 1, 1], [], []>, transpose_lhs_hint = false} : vector<2000x128xf32>, vector<128x256xf32>, vector<2000x256xf32> -> vector<2000x256xf32>
    %get3A_19 = arith.constant 0 : index
    %get3A_20 = arith.constant 0 : index
    %get3A_21 = vector.load %arg5[%get3A_19, %get3A_20] : memref<1x256xf32, #tpu.memory_space<vmem>>, vector<1x256xf32>
    %add3A_22 = vector.broadcast %get3A_21 : vector<1x256xf32> to vector<2000x256xf32>
    %add3A_23 = arith.addf %dot_general3A_18, %add3A_22 : vector<2000x256xf32>
    %get3A_24 = arith.constant 0 : index
    %get3A_25 = arith.constant 0 : index
    %get3A_26 = vector.load %arg6[%get3A_24, %get3A_25] : memref<1x256xf32, #tpu.memory_space<vmem>>, vector<1x256xf32>
    %get3A_27 = arith.constant 0 : index
    %get3A_28 = arith.constant 0 : index
    %get3A_29 = vector.load %arg7[%get3A_27, %get3A_28] : memref<1x256xf32, #tpu.memory_space<vmem>>, vector<1x256xf32>
    %reduce_sum3A = arith.constant dense<0.000000e+00> : vector<2000xf32>
    %reduce_sum3A_30 = vector.multi_reduction <add>, %add3A_23, %reduce_sum3A [1] : vector<2000x256xf32> to vector<2000xf32>
    %broadcast_in_dim3A = vector.shape_cast %reduce_sum3A_30 : vector<2000xf32> to vector<2000x1xf32>
    %div3A_31 = arith.constant 2.560000e+02 : f32
    %div3A_32 = vector.broadcast %div3A_31 : f32 to vector<2000x1xf32>
    %div3A_33 = arith.divf %broadcast_in_dim3A, %div3A_32 : vector<2000x1xf32>
    %sub3A = vector.broadcast %div3A_33 : vector<2000x1xf32> to vector<2000x256xf32>
    %sub3A_34 = arith.subf %add3A_23, %sub3A : vector<2000x256xf32>
    %integer_pow3A = arith.mulf %sub3A_34, %sub3A_34 : vector<2000x256xf32>
    %reduce_sum3A_35 = arith.constant dense<0.000000e+00> : vector<2000xf32>
    %reduce_sum3A_36 = vector.multi_reduction <add>, %integer_pow3A, %reduce_sum3A_35 [1] : vector<2000x256xf32> to vector<2000xf32>
    %broadcast_in_dim3A_37 = vector.shape_cast %reduce_sum3A_36 : vector<2000xf32> to vector<2000x1xf32>
    %div3A_38 = arith.constant 2.560000e+02 : f32
    %div3A_39 = vector.broadcast %div3A_38 : f32 to vector<2000x1xf32>
    %div3A_40 = arith.divf %broadcast_in_dim3A_37, %div3A_39 : vector<2000x1xf32>
    %sub3A_41 = vector.broadcast %div3A_33 : vector<2000x1xf32> to vector<2000x256xf32>
    %sub3A_42 = arith.subf %add3A_23, %sub3A_41 : vector<2000x256xf32>
    %add3A_43 = arith.constant 9.99999974E-6 : f32
    %add3A_44 = vector.broadcast %add3A_43 : f32 to vector<2000x1xf32>
    %add3A_45 = arith.addf %div3A_40, %add3A_44 : vector<2000x1xf32>
    %sqrt3A = math.sqrt %add3A_45 : vector<2000x1xf32>
    %div3A_46 = vector.broadcast %sqrt3A : vector<2000x1xf32> to vector<2000x256xf32>
    %div3A_47 = arith.divf %sub3A_42, %div3A_46 : vector<2000x256xf32>
    %mul3A = vector.broadcast %get3A_26 : vector<1x256xf32> to vector<2000x256xf32>
    %mul3A_48 = arith.mulf %div3A_47, %mul3A : vector<2000x256xf32>
    %add3A_49 = vector.broadcast %get3A_29 : vector<1x256xf32> to vector<2000x256xf32>
    %add3A_50 = arith.addf %mul3A_48, %add3A_49 : vector<2000x256xf32>
    %max3A = arith.constant 0.000000e+00 : f32
    %max3A_51 = vector.broadcast %max3A : f32 to vector<2000x256xf32>
    %max3A_52 = arith.maximumf %add3A_50, %max3A_51 : vector<2000x256xf32>
    %get3A_53 = arith.constant 0 : index
    %get3A_54 = arith.constant 0 : index
    %get3A_55 = vector.load %arg8[%get3A_53, %get3A_54] : memref<256x128xf32, #tpu.memory_space<vmem>>, vector<256x128xf32>
    %dot_general3A_56 = arith.constant dense<0.000000e+00> : vector<2000x128xf32>
    %dot_general3A_57 = tpu.matmul %max3A_52, %get3A_55, %dot_general3A_56 {dimension_numbers = #tpu.dot_dimension_numbers<[1], [0], [0], [1], [0, 0, 1, 1], [], []>, transpose_lhs_hint = false} : vector<2000x256xf32>, vector<256x128xf32>, vector<2000x128xf32> -> vector<2000x128xf32>
    %get3A_58 = arith.constant 0 : index
    %get3A_59 = arith.constant 0 : index
    %get3A_60 = vector.load %arg9[%get3A_58, %get3A_59] : memref<1x128xf32, #tpu.memory_space<vmem>>, vector<1x128xf32>
    %add3A_61 = vector.broadcast %get3A_60 : vector<1x128xf32> to vector<2000x128xf32>
    %add3A_62 = arith.addf %dot_general3A_57, %add3A_61 : vector<2000x128xf32>
    %get3A_63 = arith.constant 0 : index
    %get3A_64 = arith.constant 0 : index
    %get3A_65 = vector.load %arg10[%get3A_63, %get3A_64] : memref<1x128xf32, #tpu.memory_space<vmem>>, vector<1x128xf32>
    %get3A_66 = arith.constant 0 : index
    %get3A_67 = arith.constant 0 : index
    %get3A_68 = vector.load %arg11[%get3A_66, %get3A_67] : memref<1x128xf32, #tpu.memory_space<vmem>>, vector<1x128xf32>
    %reduce_sum3A_69 = arith.constant dense<0.000000e+00> : vector<2000xf32>
    %reduce_sum3A_70 = vector.multi_reduction <add>, %add3A_62, %reduce_sum3A_69 [1] : vector<2000x128xf32> to vector<2000xf32>
    %broadcast_in_dim3A_71 = vector.shape_cast %reduce_sum3A_70 : vector<2000xf32> to vector<2000x1xf32>
    %div3A_72 = arith.constant 1.280000e+02 : f32
    %div3A_73 = vector.broadcast %div3A_72 : f32 to vector<2000x1xf32>
    %div3A_74 = arith.divf %broadcast_in_dim3A_71, %div3A_73 : vector<2000x1xf32>
    %sub3A_75 = vector.broadcast %div3A_74 : vector<2000x1xf32> to vector<2000x128xf32>
    %sub3A_76 = arith.subf %add3A_62, %sub3A_75 : vector<2000x128xf32>
    %integer_pow3A_77 = arith.mulf %sub3A_76, %sub3A_76 : vector<2000x128xf32>
    %reduce_sum3A_78 = arith.constant dense<0.000000e+00> : vector<2000xf32>
    %reduce_sum3A_79 = vector.multi_reduction <add>, %integer_pow3A_77, %reduce_sum3A_78 [1] : vector<2000x128xf32> to vector<2000xf32>
    %broadcast_in_dim3A_80 = vector.shape_cast %reduce_sum3A_79 : vector<2000xf32> to vector<2000x1xf32>
    %div3A_81 = arith.constant 1.280000e+02 : f32
    %div3A_82 = vector.broadcast %div3A_81 : f32 to vector<2000x1xf32>
    %div3A_83 = arith.divf %broadcast_in_dim3A_80, %div3A_82 : vector<2000x1xf32>
    %sub3A_84 = vector.broadcast %div3A_74 : vector<2000x1xf32> to vector<2000x128xf32>
    %sub3A_85 = arith.subf %add3A_62, %sub3A_84 : vector<2000x128xf32>
    %add3A_86 = arith.constant 9.99999974E-6 : f32
    %add3A_87 = vector.broadcast %add3A_86 : f32 to vector<2000x1xf32>
    %add3A_88 = arith.addf %div3A_83, %add3A_87 : vector<2000x1xf32>
    %sqrt3A_89 = math.sqrt %add3A_88 : vector<2000x1xf32>
    %div3A_90 = vector.broadcast %sqrt3A_89 : vector<2000x1xf32> to vector<2000x128xf32>
    %div3A_91 = arith.divf %sub3A_85, %div3A_90 : vector<2000x128xf32>
    %mul3A_92 = vector.broadcast %get3A_65 : vector<1x128xf32> to vector<2000x128xf32>
    %mul3A_93 = arith.mulf %div3A_91, %mul3A_92 : vector<2000x128xf32>
    %add3A_94 = vector.broadcast %get3A_68 : vector<1x128xf32> to vector<2000x128xf32>
    %add3A_95 = arith.addf %mul3A_93, %add3A_94 : vector<2000x128xf32>
    %max3A_96 = arith.constant 0.000000e+00 : f32
    %max3A_97 = vector.broadcast %max3A_96 : f32 to vector<2000x128xf32>
    %max3A_98 = arith.maximumf %add3A_95, %max3A_97 : vector<2000x128xf32>
    %add3A_99 = arith.addf %get3A_13, %max3A_98 : vector<2000x128xf32>
    %swap3A = arith.constant 0 : index
    %swap3A_100 = arith.constant 0 : index
    %swap3A_101 = vector.load %arg12[%swap3A, %swap3A_100] : memref<2000x128xf32, #tpu.memory_space<vmem>>, vector<2000x128xf32>
    tpu.vector_store %arg12[%swap3A, %swap3A_100], %add3A_99 {strides = array<i32>} : memref<2000x128xf32, #tpu.memory_space<vmem>>, vector<2000x128xf32>,
    %get3A_102 = arith.constant 0 : index
    %get3A_103 = arith.constant 0 : index
    %get3A_104 = vector.load %arg3[%get3A_102, %get3A_103] : memref<1x1xf32, #tpu.memory_space<vmem>>, vector<1x1xf32>
    %get3A_105 = vector.extract %get3A_104[0, 0] : f32 from vector<1x1xf32>
    %max3A_106 = arith.constant 0.000000e+00 : f32
    %max3A_107 = vector.broadcast %max3A_106 : f32 to vector<2000x128xf32>
    %max3A_108 = arith.maximumf %add3A_99, %max3A_107 : vector<2000x128xf32>
    %add3A_109 = arith.constant 1.000000e-07 : f32
    %add3A_110 = vector.broadcast %add3A_109 : f32 to vector<2000x128xf32>
    %add3A_111 = arith.addf %max3A_108, %add3A_110 : vector<2000x128xf32>
    %mul3A_112 = vector.broadcast %get3A_105 : f32 to vector<2000x128xf32>
    %mul3A_113 = arith.mulf %add3A_111, %mul3A_112 : vector<2000x128xf32>
    %exp3A = math.exp %mul3A_113 : vector<2000x128xf32>
    %swap3A_114 = arith.constant 0 : index
    %swap3A_115 = arith.constant 0 : index
    %swap3A_116 = arith.constant 0 : index
    %swap3A_117 = vector.load %arg13[%swap3A_114, %swap3A_115, %swap3A_116] : memref<2x2000x128xf32, #tpu.memory_space<vmem>>, vector<1x2000x128xf32>
    %swap3A_118 = vector.shape_cast %swap3A_117 : vector<1x2000x128xf32> to vector<2000x128xf32>
    %swap3A_119 = vector.shape_cast %exp3A : vector<2000x128xf32> to vector<1x2000x128xf32>
    tpu.vector_store %arg13[%swap3A_114, %swap3A_115, %swap3A_116], %swap3A_119 {strides = array<i32>} : memref<2x2000x128xf32, #tpu.memory_space<vmem>>, vector<1x2000x128xf32>,
    %mul3A_120 = arith.mulf %add3A_111, %exp3A : vector<2000x128xf32>
    %swap3A_121 = arith.constant 1 : index
    %swap3A_122 = arith.constant 0 : index
    %swap3A_123 = arith.constant 0 : index
    %swap3A_124 = vector.load %arg13[%swap3A_121, %swap3A_122, %swap3A_123] : memref<2x2000x128xf32, #tpu.memory_space<vmem>>, vector<1x2000x128xf32>
    %swap3A_125 = vector.shape_cast %swap3A_124 : vector<1x2000x128xf32> to vector<2000x128xf32>
    %swap3A_126 = vector.shape_cast %mul3A_120 : vector<2000x128xf32> to vector<1x2000x128xf32>
    tpu.vector_store %arg13[%swap3A_121, %swap3A_122, %swap3A_123], %swap3A_126 {strides = array<i32>} : memref<2x2000x128xf32, #tpu.memory_space<vmem>>, vector<1x2000x128xf32>,
    return
  }
  func.func @transform_0(%arg0: i32) -> (i32, i32, i32) {
    %c0_i32 = arith.constant 0 : i32
    %c0_i32_0 = arith.constant 0 : i32
    %c0_i32_1 = arith.constant 0 : i32
    return %c0_i32, %arg0, %c0_i32_0 : i32, i32, i32
  }
  func.func @transform_1(%arg0: i32) -> (i32, i32) {
    %c0_i32 = arith.constant 0 : i32
    %c0_i32_0 = arith.constant 0 : i32
    return %arg0, %c0_i32 : i32, i32
  }
  func.func @transform_2(%arg0: i32) -> (i32, i32) {
    %c0_i32 = arith.constant 0 : i32
    %c0_i32_0 = arith.constant 0 : i32
    %c0_i32_1 = arith.constant 0 : i32
    return %c0_i32, %c0_i32_0 : i32, i32
  }
  func.func @transform_3(%arg0: i32) -> (i32, i32) {
    %c0_i32 = arith.constant 0 : i32
    %c0_i32_0 = arith.constant 0 : i32
    %c0_i32_1 = arith.constant 0 : i32
    return %c0_i32, %c0_i32_0 : i32, i32
  }
  func.func @transform_4(%arg0: i32) -> (i32, i32) {
    %c0_i32 = arith.constant 0 : i32
    %c0_i32_0 = arith.constant 0 : i32
    %c0_i32_1 = arith.constant 0 : i32
    return %c0_i32, %c0_i32_0 : i32, i32
  }
  func.func @transform_5(%arg0: i32) -> (i32, i32) {
    %c0_i32 = arith.constant 0 : i32
    %c0_i32_0 = arith.constant 0 : i32
    %c0_i32_1 = arith.constant 0 : i32
    return %c0_i32, %c0_i32_0 : i32, i32
  }
  func.func @transform_6(%arg0: i32) -> (i32, i32) {
    %c0_i32 = arith.constant 0 : i32
    %c0_i32_0 = arith.constant 0 : i32
    %c0_i32_1 = arith.constant 0 : i32
    return %c0_i32, %c0_i32_0 : i32, i32
  }
  func.func @transform_7(%arg0: i32) -> (i32, i32) {
    %c0_i32 = arith.constant 0 : i32
    %c0_i32_0 = arith.constant 0 : i32
    %c0_i32_1 = arith.constant 0 : i32
    return %c0_i32, %c0_i32_0 : i32, i32
  }
  func.func @transform_8(%arg0: i32) -> (i32, i32) {
    %c0_i32 = arith.constant 0 : i32
    %c0_i32_0 = arith.constant 0 : i32
    %c0_i32_1 = arith.constant 0 : i32
    return %c0_i32, %c0_i32_0 : i32, i32
  }
  func.func @transform_9(%arg0: i32) -> (i32, i32) {
    %c0_i32 = arith.constant 0 : i32
    %c0_i32_0 = arith.constant 0 : i32
    %c0_i32_1 = arith.constant 0 : i32
    return %c0_i32, %c0_i32_0 : i32, i32
  }
  func.func @transform_10(%arg0: i32) -> (i32, i32) {
    %c0_i32 = arith.constant 0 : i32
    %c0_i32_0 = arith.constant 0 : i32
    %c0_i32_1 = arith.constant 0 : i32
    return %c0_i32, %c0_i32_0 : i32, i32
  }
  func.func @transform_11(%arg0: i32) -> (i32, i32) {
    %c0_i32 = arith.constant 0 : i32
    %c0_i32_0 = arith.constant 0 : i32
    return %arg0, %c0_i32 : i32, i32
  }
  func.func @transform_12(%arg0: i32) -> (i32, i32, i32) {
    %c0_i32 = arith.constant 0 : i32
    %c0_i32_0 = arith.constant 0 : i32
    %c0_i32_1 = arith.constant 0 : i32
    return %c0_i32, %arg0, %c0_i32_0 : i32, i32, i32
  }
}

module attributes {stable_mosaic.version = 14 : i64} {
  func.func @_final_body(%arg0: i32, %arg1: memref<2x2000x128xf32, #tpu.memory_space<vmem>>, %arg2: memref<2000x128xf32, #tpu.memory_space<vmem>>, %arg3: memref<2000x128xf32, #tpu.memory_space<vmem>>, %arg4: memref<128x256xf32, #tpu.memory_space<vmem>>, %arg5: memref<1x256xf32, #tpu.memory_space<vmem>>, %arg6: memref<1x256xf32, #tpu.memory_space<vmem>>, %arg7: memref<1x256xf32, #tpu.memory_space<vmem>>, %arg8: memref<256x128xf32, #tpu.memory_space<vmem>>, %arg9: memref<1x128xf32, #tpu.memory_space<vmem>>, %arg10: memref<1x128xf32, #tpu.memory_space<vmem>>, %arg11: memref<1x128xf32, #tpu.memory_space<vmem>>, %arg12: memref<128x128xf32, #tpu.memory_space<vmem>>, %arg13: memref<128x128xf32, #tpu.memory_space<vmem>>, %arg14: memref<128x128xf32, #tpu.memory_space<vmem>>, %arg15: memref<1x128xf32, #tpu.memory_space<vmem>>, %arg16: memref<2000x128xf32, #tpu.memory_space<vmem>>) attributes {dimension_semantics = [#tpu.dimension_semantics<arbitrary>], iteration_bounds = array<i64: 5>, scalar_prefetch = 0 : i64, scratch_operands = 0 : i64, tpu.core_type = #tpu.core_type<tc>, window_params = [{transform_indices = @transform_0, window_bounds = array<i64: 2, 2000, 128>}, {transform_indices = @transform_1, window_bounds = array<i64: 2000, 128>}, {transform_indices = @transform_2, window_bounds = array<i64: 2000, 128>}, {pipeline_mode = #tpu.pipeline_mode<synchronous>, transform_indices = @transform_3, window_bounds = array<i64: 128, 256>}, {pipeline_mode = #tpu.pipeline_mode<synchronous>, transform_indices = @transform_4, window_bounds = array<i64: 1, 256>}, {pipeline_mode = #tpu.pipeline_mode<synchronous>, transform_indices = @transform_5, window_bounds = array<i64: 1, 256>}, {pipeline_mode = #tpu.pipeline_mode<synchronous>, transform_indices = @transform_6, window_bounds = array<i64: 1, 256>}, {pipeline_mode = #tpu.pipeline_mode<synchronous>, transform_indices = @transform_7, window_bounds = array<i64: 256, 128>}, {pipeline_mode = #tpu.pipeline_mode<synchronous>, transform_indices = @transform_8, window_bounds = array<i64: 1, 128>}, {pipeline_mode = #tpu.pipeline_mode<synchronous>, transform_indices = @transform_9, window_bounds = array<i64: 1, 128>}, {pipeline_mode = #tpu.pipeline_mode<synchronous>, transform_indices = @transform_10, window_bounds = array<i64: 1, 128>}, {pipeline_mode = #tpu.pipeline_mode<synchronous>, transform_indices = @transform_11, window_bounds = array<i64: 128, 128>}, {pipeline_mode = #tpu.pipeline_mode<synchronous>, transform_indices = @transform_12, window_bounds = array<i64: 128, 128>}, {pipeline_mode = #tpu.pipeline_mode<synchronous>, transform_indices = @transform_13, window_bounds = array<i64: 128, 128>}, {pipeline_mode = #tpu.pipeline_mode<synchronous>, transform_indices = @transform_14, window_bounds = array<i64: 1, 128>}, {transform_indices = @transform_15, window_bounds = array<i64: 2000, 128>}]} {
    %get3A = arith.constant 1 : index
    %get3A_0 = arith.constant 0 : index
    %get3A_1 = arith.constant 0 : index
    %get3A_2 = vector.load %arg1[%get3A, %get3A_0, %get3A_1] : memref<2x2000x128xf32, #tpu.memory_space<vmem>>, vector<1x2000x128xf32>
    %get3A_3 = vector.shape_cast %get3A_2 : vector<1x2000x128xf32> to vector<2000x128xf32>
    %get3A_4 = arith.constant 0 : index
    %get3A_5 = arith.constant 0 : index
    %get3A_6 = arith.constant 0 : index
    %get3A_7 = vector.load %arg1[%get3A_4, %get3A_5, %get3A_6] : memref<2x2000x128xf32, #tpu.memory_space<vmem>>, vector<1x2000x128xf32>
    %get3A_8 = vector.shape_cast %get3A_7 : vector<1x2000x128xf32> to vector<2000x128xf32>
    %add3A = arith.constant 1.000000e-16 : f32
    %add3A_9 = vector.broadcast %add3A : f32 to vector<2000x128xf32>
    %add3A_10 = arith.addf %get3A_8, %add3A_9 : vector<2000x128xf32>
    %div3A = arith.divf %get3A_3, %add3A_10 : vector<2000x128xf32>
    %get3A_11 = arith.constant 0 : index
    %get3A_12 = arith.constant 0 : index
    %get3A_13 = vector.load %arg2[%get3A_11, %get3A_12] : memref<2000x128xf32, #tpu.memory_space<vmem>>, vector<2000x128xf32>
    %add3A_14 = arith.addf %div3A, %get3A_13 : vector<2000x128xf32>
    %get3A_15 = arith.constant 0 : index
    %get3A_16 = arith.constant 0 : index
    %get3A_17 = vector.load %arg4[%get3A_15, %get3A_16] : memref<128x256xf32, #tpu.memory_space<vmem>>, vector<128x256xf32>
    %dot_general3A = arith.constant dense<0.000000e+00> : vector<2000x256xf32>
    %dot_general3A_18 = tpu.matmul %add3A_14, %get3A_17, %dot_general3A {dimension_numbers = #tpu.dot_dimension_numbers<[1], [0], [0], [1], [0, 0, 1, 1], [], []>, transpose_lhs_hint = false} : vector<2000x128xf32>, vector<128x256xf32>, vector<2000x256xf32> -> vector<2000x256xf32>
    %get3A_19 = arith.constant 0 : index
    %get3A_20 = arith.constant 0 : index
    %get3A_21 = vector.load %arg5[%get3A_19, %get3A_20] : memref<1x256xf32, #tpu.memory_space<vmem>>, vector<1x256xf32>
    %add3A_22 = vector.broadcast %get3A_21 : vector<1x256xf32> to vector<2000x256xf32>
    %add3A_23 = arith.addf %dot_general3A_18, %add3A_22 : vector<2000x256xf32>
    %get3A_24 = arith.constant 0 : index
    %get3A_25 = arith.constant 0 : index
    %get3A_26 = vector.load %arg6[%get3A_24, %get3A_25] : memref<1x256xf32, #tpu.memory_space<vmem>>, vector<1x256xf32>
    %get3A_27 = arith.constant 0 : index
    %get3A_28 = arith.constant 0 : index
    %get3A_29 = vector.load %arg7[%get3A_27, %get3A_28] : memref<1x256xf32, #tpu.memory_space<vmem>>, vector<1x256xf32>
    %reduce_sum3A = arith.constant dense<0.000000e+00> : vector<2000xf32>
    %reduce_sum3A_30 = vector.multi_reduction <add>, %add3A_23, %reduce_sum3A [1] : vector<2000x256xf32> to vector<2000xf32>
    %broadcast_in_dim3A = vector.shape_cast %reduce_sum3A_30 : vector<2000xf32> to vector<2000x1xf32>
    %div3A_31 = arith.constant 2.560000e+02 : f32
    %div3A_32 = vector.broadcast %div3A_31 : f32 to vector<2000x1xf32>
    %div3A_33 = arith.divf %broadcast_in_dim3A, %div3A_32 : vector<2000x1xf32>
    %sub3A = vector.broadcast %div3A_33 : vector<2000x1xf32> to vector<2000x256xf32>
    %sub3A_34 = arith.subf %add3A_23, %sub3A : vector<2000x256xf32>
    %integer_pow3A = arith.mulf %sub3A_34, %sub3A_34 : vector<2000x256xf32>
    %reduce_sum3A_35 = arith.constant dense<0.000000e+00> : vector<2000xf32>
    %reduce_sum3A_36 = vector.multi_reduction <add>, %integer_pow3A, %reduce_sum3A_35 [1] : vector<2000x256xf32> to vector<2000xf32>
    %broadcast_in_dim3A_37 = vector.shape_cast %reduce_sum3A_36 : vector<2000xf32> to vector<2000x1xf32>
    %div3A_38 = arith.constant 2.560000e+02 : f32
    %div3A_39 = vector.broadcast %div3A_38 : f32 to vector<2000x1xf32>
    %div3A_40 = arith.divf %broadcast_in_dim3A_37, %div3A_39 : vector<2000x1xf32>
    %sub3A_41 = vector.broadcast %div3A_33 : vector<2000x1xf32> to vector<2000x256xf32>
    %sub3A_42 = arith.subf %add3A_23, %sub3A_41 : vector<2000x256xf32>
    %add3A_43 = arith.constant 9.99999974E-6 : f32
    %add3A_44 = vector.broadcast %add3A_43 : f32 to vector<2000x1xf32>
    %add3A_45 = arith.addf %div3A_40, %add3A_44 : vector<2000x1xf32>
    %sqrt3A = math.sqrt %add3A_45 : vector<2000x1xf32>
    %div3A_46 = vector.broadcast %sqrt3A : vector<2000x1xf32> to vector<2000x256xf32>
    %div3A_47 = arith.divf %sub3A_42, %div3A_46 : vector<2000x256xf32>
    %mul3A = vector.broadcast %get3A_26 : vector<1x256xf32> to vector<2000x256xf32>
    %mul3A_48 = arith.mulf %div3A_47, %mul3A : vector<2000x256xf32>
    %add3A_49 = vector.broadcast %get3A_29 : vector<1x256xf32> to vector<2000x256xf32>
    %add3A_50 = arith.addf %mul3A_48, %add3A_49 : vector<2000x256xf32>
    %max3A = arith.constant 0.000000e+00 : f32
    %max3A_51 = vector.broadcast %max3A : f32 to vector<2000x256xf32>
    %max3A_52 = arith.maximumf %add3A_50, %max3A_51 : vector<2000x256xf32>
    %get3A_53 = arith.constant 0 : index
    %get3A_54 = arith.constant 0 : index
    %get3A_55 = vector.load %arg8[%get3A_53, %get3A_54] : memref<256x128xf32, #tpu.memory_space<vmem>>, vector<256x128xf32>
    %dot_general3A_56 = arith.constant dense<0.000000e+00> : vector<2000x128xf32>
    %dot_general3A_57 = tpu.matmul %max3A_52, %get3A_55, %dot_general3A_56 {dimension_numbers = #tpu.dot_dimension_numbers<[1], [0], [0], [1], [0, 0, 1, 1], [], []>, transpose_lhs_hint = false} : vector<2000x256xf32>, vector<256x128xf32>, vector<2000x128xf32> -> vector<2000x128xf32>
    %get3A_58 = arith.constant 0 : index
    %get3A_59 = arith.constant 0 : index
    %get3A_60 = vector.load %arg9[%get3A_58, %get3A_59] : memref<1x128xf32, #tpu.memory_space<vmem>>, vector<1x128xf32>
    %add3A_61 = vector.broadcast %get3A_60 : vector<1x128xf32> to vector<2000x128xf32>
    %add3A_62 = arith.addf %dot_general3A_57, %add3A_61 : vector<2000x128xf32>
    %get3A_63 = arith.constant 0 : index
    %get3A_64 = arith.constant 0 : index
    %get3A_65 = vector.load %arg10[%get3A_63, %get3A_64] : memref<1x128xf32, #tpu.memory_space<vmem>>, vector<1x128xf32>
    %get3A_66 = arith.constant 0 : index
    %get3A_67 = arith.constant 0 : index
    %get3A_68 = vector.load %arg11[%get3A_66, %get3A_67] : memref<1x128xf32, #tpu.memory_space<vmem>>, vector<1x128xf32>
    %reduce_sum3A_69 = arith.constant dense<0.000000e+00> : vector<2000xf32>
    %reduce_sum3A_70 = vector.multi_reduction <add>, %add3A_62, %reduce_sum3A_69 [1] : vector<2000x128xf32> to vector<2000xf32>
    %broadcast_in_dim3A_71 = vector.shape_cast %reduce_sum3A_70 : vector<2000xf32> to vector<2000x1xf32>
    %div3A_72 = arith.constant 1.280000e+02 : f32
    %div3A_73 = vector.broadcast %div3A_72 : f32 to vector<2000x1xf32>
    %div3A_74 = arith.divf %broadcast_in_dim3A_71, %div3A_73 : vector<2000x1xf32>
    %sub3A_75 = vector.broadcast %div3A_74 : vector<2000x1xf32> to vector<2000x128xf32>
    %sub3A_76 = arith.subf %add3A_62, %sub3A_75 : vector<2000x128xf32>
    %integer_pow3A_77 = arith.mulf %sub3A_76, %sub3A_76 : vector<2000x128xf32>
    %reduce_sum3A_78 = arith.constant dense<0.000000e+00> : vector<2000xf32>
    %reduce_sum3A_79 = vector.multi_reduction <add>, %integer_pow3A_77, %reduce_sum3A_78 [1] : vector<2000x128xf32> to vector<2000xf32>
    %broadcast_in_dim3A_80 = vector.shape_cast %reduce_sum3A_79 : vector<2000xf32> to vector<2000x1xf32>
    %div3A_81 = arith.constant 1.280000e+02 : f32
    %div3A_82 = vector.broadcast %div3A_81 : f32 to vector<2000x1xf32>
    %div3A_83 = arith.divf %broadcast_in_dim3A_80, %div3A_82 : vector<2000x1xf32>
    %sub3A_84 = vector.broadcast %div3A_74 : vector<2000x1xf32> to vector<2000x128xf32>
    %sub3A_85 = arith.subf %add3A_62, %sub3A_84 : vector<2000x128xf32>
    %add3A_86 = arith.constant 9.99999974E-6 : f32
    %add3A_87 = vector.broadcast %add3A_86 : f32 to vector<2000x1xf32>
    %add3A_88 = arith.addf %div3A_83, %add3A_87 : vector<2000x1xf32>
    %sqrt3A_89 = math.sqrt %add3A_88 : vector<2000x1xf32>
    %div3A_90 = vector.broadcast %sqrt3A_89 : vector<2000x1xf32> to vector<2000x128xf32>
    %div3A_91 = arith.divf %sub3A_85, %div3A_90 : vector<2000x128xf32>
    %mul3A_92 = vector.broadcast %get3A_65 : vector<1x128xf32> to vector<2000x128xf32>
    %mul3A_93 = arith.mulf %div3A_91, %mul3A_92 : vector<2000x128xf32>
    %add3A_94 = vector.broadcast %get3A_68 : vector<1x128xf32> to vector<2000x128xf32>
    %add3A_95 = arith.addf %mul3A_93, %add3A_94 : vector<2000x128xf32>
    %max3A_96 = arith.constant 0.000000e+00 : f32
    %max3A_97 = vector.broadcast %max3A_96 : f32 to vector<2000x128xf32>
    %max3A_98 = arith.maximumf %add3A_95, %max3A_97 : vector<2000x128xf32>
    %add3A_99 = arith.addf %get3A_13, %max3A_98 : vector<2000x128xf32>
    %get3A_100 = arith.constant 0 : index
    %get3A_101 = arith.constant 0 : index
    %get3A_102 = vector.load %arg3[%get3A_100, %get3A_101] : memref<2000x128xf32, #tpu.memory_space<vmem>>, vector<2000x128xf32>
    %get3A_103 = arith.constant 0 : index
    %get3A_104 = arith.constant 0 : index
    %get3A_105 = vector.load %arg12[%get3A_103, %get3A_104] : memref<128x128xf32, #tpu.memory_space<vmem>>, vector<128x128xf32>
    %dot_general3A_106 = arith.constant dense<0.000000e+00> : vector<2000x128xf32>
    %dot_general3A_107 = tpu.matmul %get3A_102, %get3A_105, %dot_general3A_106 {dimension_numbers = #tpu.dot_dimension_numbers<[1], [0], [0], [1], [0, 0, 1, 1], [], []>, transpose_lhs_hint = false} : vector<2000x128xf32>, vector<128x128xf32>, vector<2000x128xf32> -> vector<2000x128xf32>
    %get3A_108 = arith.constant 0 : index
    %get3A_109 = arith.constant 0 : index
    %get3A_110 = vector.load %arg13[%get3A_108, %get3A_109] : memref<128x128xf32, #tpu.memory_space<vmem>>, vector<128x128xf32>
    %dot_general3A_111 = arith.constant dense<0.000000e+00> : vector<2000x128xf32>
    %dot_general3A_112 = tpu.matmul %get3A_13, %get3A_110, %dot_general3A_111 {dimension_numbers = #tpu.dot_dimension_numbers<[1], [0], [0], [1], [0, 0, 1, 1], [], []>, transpose_lhs_hint = false} : vector<2000x128xf32>, vector<128x128xf32>, vector<2000x128xf32> -> vector<2000x128xf32>
    %add3A_113 = arith.addf %dot_general3A_107, %dot_general3A_112 : vector<2000x128xf32>
    %get3A_114 = arith.constant 0 : index
    %get3A_115 = arith.constant 0 : index
    %get3A_116 = vector.load %arg14[%get3A_114, %get3A_115] : memref<128x128xf32, #tpu.memory_space<vmem>>, vector<128x128xf32>
    %dot_general3A_117 = arith.constant dense<0.000000e+00> : vector<2000x128xf32>
    %dot_general3A_118 = tpu.matmul %add3A_99, %get3A_116, %dot_general3A_117 {dimension_numbers = #tpu.dot_dimension_numbers<[1], [0], [0], [1], [0, 0, 1, 1], [], []>, transpose_lhs_hint = false} : vector<2000x128xf32>, vector<128x128xf32>, vector<2000x128xf32> -> vector<2000x128xf32>
    %add3A_119 = arith.addf %add3A_113, %dot_general3A_118 : vector<2000x128xf32>
    %get3A_120 = arith.constant 0 : index
    %get3A_121 = arith.constant 0 : index
    %get3A_122 = vector.load %arg15[%get3A_120, %get3A_121] : memref<1x128xf32, #tpu.memory_space<vmem>>, vector<1x128xf32>
    %add3A_123 = vector.broadcast %get3A_122 : vector<1x128xf32> to vector<2000x128xf32>
    %add3A_124 = arith.addf %add3A_119, %add3A_123 : vector<2000x128xf32>
    %swap3A = arith.constant 0 : index
    %swap3A_125 = arith.constant 0 : index
    %swap3A_126 = vector.load %arg16[%swap3A, %swap3A_125] : memref<2000x128xf32, #tpu.memory_space<vmem>>, vector<2000x128xf32>
    tpu.vector_store %arg16[%swap3A, %swap3A_125], %add3A_124 {strides = array<i32>} : memref<2000x128xf32, #tpu.memory_space<vmem>>, vector<2000x128xf32>,
    return
  }
  func.func @transform_0(%arg0: i32) -> (i32, i32, i32) {
    %c0_i32 = arith.constant 0 : i32
    %c0_i32_0 = arith.constant 0 : i32
    %c0_i32_1 = arith.constant 0 : i32
    return %c0_i32, %arg0, %c0_i32_0 : i32, i32, i32
  }
  func.func @transform_1(%arg0: i32) -> (i32, i32) {
    %c0_i32 = arith.constant 0 : i32
    %c0_i32_0 = arith.constant 0 : i32
    return %arg0, %c0_i32 : i32, i32
  }
  func.func @transform_2(%arg0: i32) -> (i32, i32) {
    %c0_i32 = arith.constant 0 : i32
    %c0_i32_0 = arith.constant 0 : i32
    return %arg0, %c0_i32 : i32, i32
  }
  func.func @transform_3(%arg0: i32) -> (i32, i32) {
    %c0_i32 = arith.constant 0 : i32
    %c0_i32_0 = arith.constant 0 : i32
    %c0_i32_1 = arith.constant 0 : i32
    return %c0_i32, %c0_i32_0 : i32, i32
  }
  func.func @transform_4(%arg0: i32) -> (i32, i32) {
    %c0_i32 = arith.constant 0 : i32
    %c0_i32_0 = arith.constant 0 : i32
    %c0_i32_1 = arith.constant 0 : i32
    return %c0_i32, %c0_i32_0 : i32, i32
  }
  func.func @transform_5(%arg0: i32) -> (i32, i32) {
    %c0_i32 = arith.constant 0 : i32
    %c0_i32_0 = arith.constant 0 : i32
    %c0_i32_1 = arith.constant 0 : i32
    return %c0_i32, %c0_i32_0 : i32, i32
  }
  func.func @transform_6(%arg0: i32) -> (i32, i32) {
    %c0_i32 = arith.constant 0 : i32
    %c0_i32_0 = arith.constant 0 : i32
    %c0_i32_1 = arith.constant 0 : i32
    return %c0_i32, %c0_i32_0 : i32, i32
  }
  func.func @transform_7(%arg0: i32) -> (i32, i32) {
    %c0_i32 = arith.constant 0 : i32
    %c0_i32_0 = arith.constant 0 : i32
    %c0_i32_1 = arith.constant 0 : i32
    return %c0_i32, %c0_i32_0 : i32, i32
  }
  func.func @transform_8(%arg0: i32) -> (i32, i32) {
    %c0_i32 = arith.constant 0 : i32
    %c0_i32_0 = arith.constant 0 : i32
    %c0_i32_1 = arith.constant 0 : i32
    return %c0_i32, %c0_i32_0 : i32, i32
  }
  func.func @transform_9(%arg0: i32) -> (i32, i32) {
    %c0_i32 = arith.constant 0 : i32
    %c0_i32_0 = arith.constant 0 : i32
    %c0_i32_1 = arith.constant 0 : i32
    return %c0_i32, %c0_i32_0 : i32, i32
  }
  func.func @transform_10(%arg0: i32) -> (i32, i32) {
    %c0_i32 = arith.constant 0 : i32
    %c0_i32_0 = arith.constant 0 : i32
    %c0_i32_1 = arith.constant 0 : i32
    return %c0_i32, %c0_i32_0 : i32, i32
  }
  func.func @transform_11(%arg0: i32) -> (i32, i32) {
    %c0_i32 = arith.constant 0 : i32
    %c0_i32_0 = arith.constant 0 : i32
    %c0_i32_1 = arith.constant 0 : i32
    return %c0_i32, %c0_i32_0 : i32, i32
  }
  func.func @transform_12(%arg0: i32) -> (i32, i32) {
    %c0_i32 = arith.constant 0 : i32
    %c0_i32_0 = arith.constant 0 : i32
    %c0_i32_1 = arith.constant 0 : i32
    return %c0_i32, %c0_i32_0 : i32, i32
  }
  func.func @transform_13(%arg0: i32) -> (i32, i32) {
    %c0_i32 = arith.constant 0 : i32
    %c0_i32_0 = arith.constant 0 : i32
    %c0_i32_1 = arith.constant 0 : i32
    return %c0_i32, %c0_i32_0 : i32, i32
  }
  func.func @transform_14(%arg0: i32) -> (i32, i32) {
    %c0_i32 = arith.constant 0 : i32
    %c0_i32_0 = arith.constant 0 : i32
    %c0_i32_1 = arith.constant 0 : i32
    return %c0_i32, %c0_i32_0 : i32, i32
  }
  func.func @transform_15(%arg0: i32) -> (i32, i32) {
    %c0_i32 = arith.constant 0 : i32
    %c0_i32_0 = arith.constant 0 : i32
    return %arg0, %c0_i32 : i32, i32
  }
}

</mosaic_0001>

<sc_bundles>
// kernel: kernel.12.cloned.1.call-start
scs
__scs_entry_jumppad:
0x0: {  	(pc) =	sbr.rel $0x88, $3  }
0x1: {  	(tag) =	ssettag $0x0;
	lr =	simm.s32 $0x1  }
0x2: {  	[smem:$0x3F84] =	sst lr;
	_ =	strace $0xD0000000  }
0x3: {  	_ = 	snop  }
0x4: {  	_ = 	snop  }
0x5: {  	_ = 	snop  }
0x6: {  	_ = 	snop  }
0x7: {  	_ = 	snop  }
__scs_overlays_trampoline_lowered:
0x8: {  	[smem:$0x3F93] =	sst s0  }
0x9: {  	[smem:$0x3F94] =	sst s1  }
0xa: {  	[smem:$0x3F95] =	sst s2  }
0xb: {  	[smem:$0x3F96] =	sst s3  }
0xc: {  	[smem:$0x3F97] =	sst s4  }
0xd: {  	[smem:$0x3F98] =	sst s5  }
0xe: {  	[smem:$0x3F99] =	sst s6  }
0xf: {  	[smem:$0x3F9A] =	sst s7  }
0x10: {  	[smem:$0x3F9B] =	sst s8  }
0x11: {  	[smem:$0x3F9C] =	sst s9;
	s0 =	simm.s32 @!p0 $0x0  }
0x12: {  	s1 =	sld [smem:$0x3F82];
	s0 =	simm.s32 @p0 $0x1  }
0x13: {  	[smem:$0x3F9D] =	sst s0;
	s0 =	simm.s32 @!p1 $0x0  }
0x14: {  	s2 =	sld [smem:$0x3F81];
	s0 =	simm.s32 @p1 $0x1  }
0x15: {  	[smem:$0x3F9E] =	sst s0;
	s0 =	simm.s32 @!p2 $0x0  }
0x16: {  	s3 =	sld [smem:$0x3FDB];
	s0 =	simm.s32 @p2 $0x1  }
0x17: {  	s4 =	simm.s32 $0x1BF5;
	[smem:$0x3FA0] =	sst s0  }
0x18: {  	s0 =	sld [smem:$0x3F83];
	_ =	swait.ge [sflag:s4], $0x0  }
0x19: {  	s7 =	sld [smem:$0x3F84]  }
0x1a: {  	s8 =	sadd.s32 $0xFFFFE003, lr  }
0x1b: {  	s9 =	sadd.s32 $0xFFFFFEF7, lr;
	s5 =	simm.s32 $0xFFFFFFFF;
	p2 =	slt.u32 s8, $0xFFFFF086  }
0x1c: {  	p1 =	slt.u32 s9, $0xF7A;
	s5 =	simm.s32 @!p2 $0x0  }
0x1d: {  	s5 =	simm.s32 @p1 $0x1;
	p0 =	seq.s32 s7, s2  }
0x1e: {  	s7 =	smul.u32 @!p0 $0xF7A, s2;
	p2 =	seq.s32 @!p0 s5, $0x0  }
0x1f: {  	s9 =	smul.u32 $0xF7A, s1;
	s8 =	simm.s32 @!p0 $0x1BF5;
	p2 =	por !p2, p0  }
0x20: {  	[sflag:s8] =	ssyncset.s32 @!p0 $0xFFFFF086;
	s6 =	sadd.s32 @!p0 s3, s7;
	s7 =	simm.s32 @!p0 $0x108  }
0x21: {  	s3 =	sadd.s32 s3, s9;
	s6 =	sadd.s32 @!p0 $0x88, s6;
	s7 =	simm.s32 @p2 $0x1082  }
0x22: {  	[simem:s7], [sflag:s8] =	dma.local @!p0 [hbm:s6], $0xF7A  }
0x23: {  	s9 =	sor.u32 $0xD0000000, s2;
	s6 =	simm.s32 $0x108;
	_ =	swait.ge @!p0 [sflag:s8], $0x0  }
0x24: {  	s3 =	sadd.s32 $0x88, s3;
	s6 =	simm.s32 @!p1 $0x1082;
	[sflag:s4] =	ssyncset.s32 $0xFFFFF086  }
0x25: {  	[simem:s6], [sflag:s4] =	dma.local [hbm:s3], $0xF7A  }
0x26: {  	[smem:$0x3F84] =	sst s1;
	(tag) =	ssettag s2;
	_ =	strace s9  }
0x27: {  	s1 =	sld [smem:$0x3F94]  }
0x28: {  	s2 =	sld [smem:$0x3F95]  }
0x29: {  	s4 =	sld [smem:$0x3F97]  }
0x2a: {  	p0 =	seq.s32 s5, $0x0;
	s5 =	sld [smem:$0x3F98]  }
0x2b: {  	s6 =	sld [smem:$0x3F99]  }
0x2c: {  	s7 =	sld [smem:$0x3F9A]  }
0x2d: {  	s3 =	simm.s32 $0x108;
	s8 =	sld [smem:$0x3F9B]  }
0x2e: {  	s3 =	simm.s32 @!p0 $0x1082;
	s9 =	sld [smem:$0x3F9C]  }
0x2f: {  	lr =	sadd.s32 s0, s3;
	s0 =	sld [smem:$0x3F93]  }
0x30: {  	s3 =	sld [smem:$0x3F96]  }
0x31: {  	[smem:$0x3F9F] =	sst s10  }
0x32: {  	s10 =	sld [smem:$0x3F9D];
	_ =	sdelay $0x3  }
0x33: {  	p0 =	seq.s32 s10, $0x1;
	s10 =	sld [smem:$0x3F9F];
	_ =	sdelay $0x3  }
0x34: {  	[smem:$0x3F9F] =	sst s10  }
0x35: {  	s10 =	sld [smem:$0x3F9E];
	_ =	sdelay $0x3  }
0x36: {  	p1 =	seq.s32 s10, $0x1;
	s10 =	sld [smem:$0x3F9F];
	_ =	sdelay $0x3  }
0x37: {  	[smem:$0x3F9F] =	sst s10  }
0x38: {  	s10 =	sld [smem:$0x3FA0]  }
0x39: {  	_ = 	snop;
	(pc) =	sbr.ind lr, $3  }
0x3a: {  	_ = 	snop  }
0x3b: {  	_ = 	snop  }
0x3c: {  	p2 =	seq.s32 s10, $0x1;
	s10 =	sld [smem:$0x3F9F]  }
0x3d: {  	_ =	shalt  }
0x3e: {  	_ =	shalt  }
0x3f: {  	_ =	shalt  }
0x40: {  	_ =	shalt  }
0x41: {  	_ =	shalt  }
0x42: {  	_ =	shalt  }
0x43: {  	_ =	shalt  }
0x44: {  	_ =	shalt  }
0x45: {  	_ =	shalt  }
0x46: {  	_ =	shalt  }
0x47: {  	_ =	shalt  }
0x48: {  	_ =	shalt  }
0x49: {  	_ =	shalt  }
0x4a: {  	_ =	shalt  }
0x4b: {  	_ =	shalt  }
0x4c: {  	_ =	shalt  }
0x4d: {  	_ =	shalt  }
0x4e: {  	_ =	shalt  }
0x4f: {  	_ =	shalt  }
0x50: {  	_ =	shalt  }
0x51: {  	_ =	shalt  }
0x52: {  	_ =	shalt  }
0x53: {  	_ =	shalt  }
0x54: {  	_ =	shalt  }
0x55: {  	_ =	shalt  }
0x56: {  	_ =	shalt  }
0x57: {  	_ =	shalt  }
0x58: {  	_ =	shalt  }
0x59: {  	_ =	shalt  }
0x5a: {  	_ =	shalt  }
0x5b: {  	_ =	shalt  }
0x5c: {  	_ =	shalt  }
0x5d: {  	_ =	shalt  }
0x5e: {  	_ =	shalt  }
0x5f: {  	_ =	shalt  }
0x60: {  	_ =	shalt  }
0x61: {  	_ =	shalt  }
0x62: {  	_ =	shalt  }
0x63: {  	_ =	shalt  }
0x64: {  	_ =	shalt  }
0x65: {  	_ =	shalt  }
0x66: {  	_ =	shalt  }
0x67: {  	_ =	shalt  }
0x68: {  	_ =	shalt  }
0x69: {  	_ =	shalt  }
0x6a: {  	_ =	shalt  }
0x6b: {  	_ =	shalt  }
0x6c: {  	_ =	shalt  }
0x6d: {  	_ =	shalt  }
0x6e: {  	_ =	shalt  }
0x6f: {  	_ =	shalt  }
0x70: {  	_ =	shalt  }
0x71: {  	_ =	shalt  }
0x72: {  	_ =	shalt  }
0x73: {  	_ =	shalt  }
0x74: {  	_ =	shalt  }
0x75: {  	_ =	shalt  }
0x76: {  	_ =	shalt  }
0x77: {  	_ =	shalt  }
0x78: {  	_ =	shalt  }
0x79: {  	_ =	shalt  }
0x7a: {  	_ =	shalt  }
0x7b: {  	_ =	shalt  }
0x7c: {  	_ =	shalt  }
0x7d: {  	_ =	shalt  }
0x7e: {  	_ =	shalt  }
0x7f: {  	_ =	shalt  }
0x80: {  	_ =	shalt  }
0x81: {  	_ =	shalt  }
0x82: {  	_ =	shalt  }
0x83: {  	_ =	shalt  }
0x84: {  	_ =	shalt  }
0x85: {  	_ =	shalt  }
0x86: {  	_ =	shalt  }
0x87: {  	_ =	shalt  }
.Lfunc_end0:
.L_simem_size_0:
called_computation.1_lowered:
.L_overlay_start_0:
0x88: {  	s2 =	sld [smem:$0x3FD9]  }
0x89: {  	s3 =	sld [smem:$0x3FFE];
	_ =	sdelay $0x1  }
0x8a: {  	s1 =	srdreg.scid  }
0x8b: {  	s0 =	sand.u32 $0x1, s1  }
0x8c: {  	s14 =	sshll.u32 s0, $0xA;
	s2 =	sadd.s32 s3, s2  }
0x8d: {  	s2 =	sadd.s32 s2, s14  }
0x8e: {  	[smem:$0x3FAB] =	sst s2  }
0x8f: {  	_ = 	snop  }
0x90: {  	s2 =	sld [smem:$0x3FD0];
	_ =	sdelay $0x2  }
0x91: {  	s15 =	simm.s32 $0xA;
	s4 =	simm.s32 $0x10  }
0x92: {  	[smem:s4], [sflag:s15] =	dma.local [hbm:s2], $0x1  }
0x93: {  	_ =	swait.eq [sflag:s15], $0x1  }
0x94: {  	[sflag:s15] =	ssyncset.done $0x0  }
0x95: {  	[sflag:s15] =	ssyncadd.s32 $0xFFFFFFFF  }
0x96: {  	s16 =	sld [smem:$0x11];
	(tm) =	ssettm $0x1  }
0x97: {  	s17 =	sld [smem:$0x3FFB];
	_ =	sdelay $0x3  }
0x98: {  	_ =	strace s17  }
0x99: {  	s3 =	sld [smem:$0x3FFC];
	_ =	sdelay $0x3  }
0x9a: {  	_ =	strace s3  }
0x9b: {  	s3 =	sld [smem:$0x3FFD];
	_ =	sdelay $0x3  }
0x9c: {  	_ =	strace s3  }
0x9d: {  	_ =	strace $0x8FFFFFFF  }
0x9e: {  	s18 =	sld [smem:$0x3FDB];
	_ =	sdelay $0x1  }
0x9f: {  	s19 =	simm.s32 $_scs_section_size  }
0xa0: {  	s5 =	simm.s32 $_size__tile_overlayer_lowered;
	s6 =	simm.s32 $_tile_overlayer_lowered  }
0xa1: {  	s22 =	simm.s32 $0x1BFF;
	s21 =	sshll.u32 s6, $0x1;
	s3 =	sadd.s32 s19, s18  }
0xa2: {  	s7 =	simm.s32 $0x0;
	s20 =	sshll.u32 s5, $0x1;
	s5 =	sadd.s32 s21, s3  }
0xa3: {  	[timem:s7], [sflag:s22] =	dma.local [hbm:s5], s20  }
0xa4: {  	_ =	swait.ge [sflag:s22], s20  }
0xa5: {  	s4 =	ssub.s32 $0x0, s20;
	[sflag:s22] =	ssyncset.done $0x0  }
0xa6: {  	[sflag:s22] =	ssyncadd.s32 s4;
	_ =	sdelay $0x1  }
0xa7: {  	s23 =	simm.s32 $0x1B8B  }
0xa8: {  	_ =	swait.ge [sflag:s23], $0x1  }
0xa9: {  	[sflag:s23] =	ssyncset.done $0x0  }
0xaa: {  	s25 =	simm.s32 $0x1B8E;
	s24 =	sld [smem:$0x3FFE];
	[sflag:s23] =	ssyncadd.s32 $0xFFFFFFFF  }
0xab: {  	s26 =	simm.s32 $execute0_lowered;
	[smem:$0x3FD2] =	sst s25  }
0xac: {  	s5 =	sshll.u32 s26, $0x1;
	_ =	strace $0x80000049;
	[dreg:$0x1] =	wrdreg $0xFFFFFFFF  }
0xad: {  	s28 =	simm.s32 $_size_execute0_lowered;
	s3 =	sadd.s32 s3, s5;
	[dreg:$0x0] =	wrdreg $0x0  }
0xae: {  	s5 =	sshll.u32 s28, $0x1;
	[dreg:$0x2] =	wrdreg s3  }
0xaf: {  	[dreg:$0x3] =	wrdreg s5  }
0xb0: {  	[dreg:$0x4] =	wrdreg $0xC0  }
0xb1: {  	_ =	task [dreg:s7], $0x5FFFF  }
0xb2: {  	[dreg:$0x1] =	wrdreg $0xFFFFFFFF  }
0xb3: {  	[dreg:$0x0] =	wrdreg $0x60  }
0xb4: {  	[dreg:$0x2] =	wrdreg s24  }
0xb5: {  	[dreg:$0x3] =	wrdreg s16  }
0xb6: {  	[dreg:$0x4] =	wrdreg $0xA8000  }
0xb7: {  	[dreg:$0x5] =	wrdreg $0x9  }
0xb8: {  	_ =	task.clear_ibuf [dreg:s7], $0x6FFFF;
	_ =	strace $0x90000049  }
0xb9: {  	s29 =	simm.s32 $0x9;
	_ =	strace $0x8000004B  }
0xba: {  	_ =	swait.ge [sflag:s29], $0x1  }
0xbb: {  	[sflag:s29] =	ssyncadd.s32 $0xFFFFFFFF  }
0xbc: {  	_ =	strace $0x9000004B  }
0xbd: {  	_ =	sfence  }
0xbe: {  	s30 =	sld [smem:$0x0];
	_ =	sdelay $0x2  }
0xbf: {  	s31 =	sshll.u32 s1, $0xD;
	s1 =	sshrl.u32 s1, $0x2  }
0xc0: {  	s3 =	sand.u32 $0x4000, s31;
	s1 =	sadd.s32 s1, s30  }
0xc1: {  	s0 =	sor.u32 s3, s0;
	s1 =	sshll.u32 s1, $0x11  }
0xc2: {  	s0 =	sor.u32 s1, s0  }
0xc3: {  	s0 =	sadd.s32 $0x8F2B, s0  }
0xc4: {  	[sflag:s0] =	ssyncadd.remote.s32 $0x1  }
0xc5: {  	_ =	sfence.sel $0xFFFF  }
0xc6: {  	[dreg:$0x0] =	wrdreg $0xFFFFFFFF;
	(pc) =	sbr.abs _section_cstart, $3  }
0xc7: {  	[dreg:$0x1] =	wrdreg $0xFFFFFFFF  }
0xc8: {  	_ =	task.clear_ibuf [dreg:s7], $0x2FFFF;
	_ =	strace $0x9FFFFFFF  }
0xc9: {  	(tm) =	ssettm $0x7FFFFFFF  }
tec
execute0_lowered:
.L_overlay_start_1:
0x0: {  	(tag) =	ssettag $0x1  }
0x1: {  	s7 =	rddreg [dreg:$0x0]  }
0x2: {  	s2 =	rddreg [dreg:$0x1]  }
0x3: {  	s3 =	rddreg [dreg:$0x2]  }
0x4: {  	s0 =	rddreg [dreg:$0x3]  }
0x5: {  	s4 =	simm.s32 $0x0;
	s1 =	stileid.u32;
	s5 =	srdreg.scid  }
0x6: {  	s16 =	simm.s32 $0x80;
	s17 =	simm.s32 $0x2800;
	s18 =	simm.s32 $0x6800  }
0x7: {  	s19 =	simm.s32 $0x1;
	s20 =	simm.s32 $0x2;
	s21 =	simm.s32 $0x1380  }
0x8: {  	s22 =	simm.s32 $0x2700;
	s23 =	simm.s32 $0x2780;
	[smem:$0x7FF] =	sst s4  }
0x9: {  	s8 =	smul.u32 $0x14000, s1;
	s10 =	sand.u32 $0x1, s5;
	s5 =	sadd.s32 $0x19000, s7  }
0xa: {  	s6 =	sadd.s32 $0x5000, s7;
	s12 =	smul.u32 $0x50000, s1;
	s31 =	sshll.u32 s1, $0x6  }
0xb: {  	_ =	strace $0x8000004A;
	s9 =	smul.u32 $0x140000, s10;
	s30 =	ssub.s32 $0x2, s10  }
0xc: {  	s10 =	smul.u32 $0x50000, s10;
	s11 =	sshrl.u32 s8, $0x3;
	s13 =	sshrl.u32 s30, $0x1  }
0xd: {  	s12 =	sshrl.u32 s12, $0x2;
	s11 =	sadd.s32 s11, s7;
	s8 =	sadd.s32 s8, s9  }
0xe: {  	s13 =	ssub.s32 s30, s13;
	s15 =	sadd.s32 s12, s3;
	s9 =	sor.u32 $0x1C03, s31  }
0xf: {  	s8 =	sshrl.u32 s8, $0x3;
	s12 =	smax.u32 s13, $0x1;
	s13 =	sshrl.u32 s15, $0x3  }
0x10: {  	s15 =	simm.s32 $0x1400;
	s14 =	sadd.s32 s8, s7;
	s7 =	sadd.s32 $0x67200, s11  }
0x11: {  	s8 =	smul.u32 $0xA0, s1;
	s11 =	sadd.s32 $0x8F200, s14;
	s14 =	simm.s32 $0x3  }
.LBB2_1:
0x12: {  	[spmem:s13], [sflag:s9] =	dma.local [hbm:s7], $0x2800  }
0x13: {  	_ =	swait.ge [sflag:s14], $0x2800  }
0x14: {  	[sflag:s14] =	ssyncset.done $0x0  }
0x15: {  	[sflag:s14] =	ssyncadd.s32 $0xFFFFD800  }
0x16: {  	s24 =	simm.s32 $0x0;
	[bflag:$0x0] =	sbarrier.arrive $0xFFFF  }
.LBB2_2:
0x17: {  	s25 =	smul.u32 $0x28, s24;
	_ =	sdelay $0x1  }
0x18: {  	s25 =	sadd.s32 s8, s25  }
0x19: {  	s26 =	sshll.u32 s25, $0x7  }
0x1a: {  	s26 =	sadd.s32 s10, s26  }
0x1b: {  	s26 =	sshrl.u32 s26, $0x3  }
0x1c: {  	s28 =	simm.s32 $0x0;
	s26 =	sadd.s32 s6, s26  }
0x1d: {  	[tilespmem:s28], [sflag:$0x3] =	stream.linear.gather [hbm4b:s26+s28], $0x1400, $0x38;
	[tilespmem:$0x1E800] =	vst v63  }
0x1e: {  	_ =	swait.ge [sflag:s14], $0x1400  }
0x1f: {  	s25 =	sshll.u32 s25, $0x4;
	[sflag:s14] =	ssyncset.done $0x0  }
0x20: {  	s25 =	sadd.s32 s2, s25;
	[sflag:s14] =	ssyncadd.s32 $0xFFFFEC00  }
0x21: {  	[tilespmem:s15], [sflag:$0x3] =	stream.linear.gather [hbm4b:s25+s28], $0x1400, $0x38;
	[tilespmem:$0x1E800] =	vst v63  }
0x22: {  	_ =	swait.ge [sflag:s14], $0x1400  }
0x23: {  	[sflag:s14] =	ssyncset.done $0x0  }
0x24: {  	[sflag:s14] =	ssyncadd.s32 $0xFFFFEC00  }
0x25: {  	[tilespmem:s17], [sflag:$0x1] =	stream.indirect.gather [hbm4b:s5+s16], $0x80, s28, s16, $0xb8;
	[tilespmem:$0x1E800] =	vst v63  }
0x26: {  	s28 =	simm.s32 $0x80  }
0x27: {  	[tilespmem:s18], [sflag:$0x2] =	stream.indirect.gather [hbm4b:s5+s16], $0x80, s28, s16, $0xb8;
	[tilespmem:$0x1E800] =	vst v63  }
0x28: {  	_ =	swait.ge [sflag:s19], $0x4000  }
0x29: {  	[sflag:s19] =	ssyncset.done $0x0  }
0x2a: {  	s29 =	simm.s32 $0x1400;
	[sflag:s19] =	ssyncadd.s32 $0xFFFFC000  }
0x2b: {  	[spmem:s3] =	stream.indirect.scatter.add.f32 [tilespmem:s17], [sflag:$0x3], $0x80, s29, s16, $0xb8;
	[tilespmem:$0x1E800] =	vst v63  }
0x2c: {  	_ =	swait.ge [sflag:s14], $0x4000  }
0x2d: {  	[sflag:s14] =	ssyncset.done $0x0  }
0x2e: {  	s30 =	simm.s32 $0x100;
	[sflag:s14] =	ssyncadd.s32 $0xFFFFC000  }
0x2f: {  	[tilespmem:s17], [sflag:$0x1] =	stream.indirect.gather [hbm4b:s5+s16], $0x80, s30, s16, $0xb8;
	[tilespmem:$0x1E800] =	vst v63  }
0x30: {  	_ =	swait.ge [sflag:s20], $0x4000  }
0x31: {  	[sflag:s20] =	ssyncset.done $0x0  }
0x32: {  	s31 =	simm.s32 $0x1480;
	[sflag:s20] =	ssyncadd.s32 $0xFFFFC000  }
0x33: {  	[spmem:s3] =	stream.indirect.scatter.add.f32 [tilespmem:s18], [sflag:$0x3], $0x80, s31, s16, $0xb8;
	[tilespmem:$0x1E800] =	vst v63  }
0x34: {  	_ =	swait.ge [sflag:s14], $0x4000  }
0x35: {  	s26 =	simm.s32 $0x800;
	s25 =	simm.s32 $0x100;
	[sflag:s14] =	ssyncset.done $0x0  }
.LBB2_3:
0x36: {  	s28 =	sadd.s32 $0x80, s25  }
0x37: {  	[sflag:s14] =	ssyncadd.s32 $0xFFFFC000;
	s29 =	smov.u32 s26;
	s30 =	sadd.s32 $0x400, s26  }
0x38: {  	[tilespmem:s18], [sflag:$0x2] =	stream.indirect.gather [hbm4b:s5+s16], $0x80, s28, s16, $0xb8;
	[tilespmem:$0x1E800] =	vst v63  }
0x39: {  	p0 =	sne.s32 s26, $0x4800;
	_ =	swait.ge [sflag:s19], $0x4000  }
0x3a: {  	[sflag:s19] =	ssyncset.done $0x0  }
0x3b: {  	s26 =	sadd.s32 $0x1400, s25;
	[sflag:s19] =	ssyncadd.s32 $0xFFFFC000  }
0x3c: {  	[spmem:s3] =	stream.indirect.scatter.add.f32 [tilespmem:s17], [sflag:$0x3], $0x80, s26, s16, $0xb8;
	[tilespmem:$0x1E800] =	vst v63  }
0x3d: {  	_ =	swait.ge [sflag:s14], $0x4000  }
0x3e: {  	[sflag:s14] =	ssyncset.done $0x0  }
0x3f: {  	s26 =	sadd.s32 $0x100, s25;
	[sflag:s14] =	ssyncadd.s32 $0xFFFFC000  }
0x40: {  	[tilespmem:s17], [sflag:$0x1] =	stream.indirect.gather [hbm4b:s5+s16], $0x80, s26, s16, $0xb8;
	[tilespmem:$0x1E800] =	vst v63  }
0x41: {  	_ =	swait.ge [sflag:s20], $0x4000  }
.Ltmp0:
0x42: {  	[sflag:s20] =	ssyncset.done $0x0;
	(pc) =	sbr.rel @p0 .LBB2_3-.Ltmp0, $4  }
0x43: {  	s25 =	sadd.s32 $0x1480, s25;
	[sflag:s20] =	ssyncadd.s32 $0xFFFFC000  }
0x44: {  	[spmem:s3] =	stream.indirect.scatter.add.f32 [tilespmem:s18], [sflag:$0x3], $0x80, s25, s16, $0xb8;
	[tilespmem:$0x1E800] =	vst v63  }
0x45: {  	_ =	swait.ge [sflag:s14], $0x4000  }
0x46: {  	s26 =	smov.u32 s30;
	s25 =	sshra.s32 s29, $0x2;
	[sflag:s14] =	ssyncset.done $0x0  }
0x47: {  	s26 =	sadd.s32 $0x80, s25;
	[sflag:s14] =	ssyncadd.s32 $0xFFFFC000  }
0x48: {  	[tilespmem:s18], [sflag:$0x2] =	stream.indirect.gather [hbm4b:s5+s16], $0x80, s26, s16, $0xb8;
	[tilespmem:$0x1E800] =	vst v63  }
0x49: {  	_ =	swait.ge [sflag:s19], $0x4000  }
0x4a: {  	[sflag:s19] =	ssyncset.done $0x0  }
0x4b: {  	s29 =	sadd.s32 $0x1400, s25;
	[sflag:s19] =	ssyncadd.s32 $0xFFFFC000  }
0x4c: {  	[spmem:s3] =	stream.indirect.scatter.add.f32 [tilespmem:s17], [sflag:$0x3], $0x80, s29, s16, $0xb8;
	[tilespmem:$0x1E800] =	vst v63  }
0x4d: {  	_ =	swait.ge [sflag:s14], $0x4000  }
0x4e: {  	[sflag:s14] =	ssyncset.done $0x0  }
0x4f: {  	s30 =	sadd.s32 $0x100, s25;
	[sflag:s14] =	ssyncadd.s32 $0xFFFFC000  }
0x50: {  	[tilespmem:s17], [sflag:$0x1] =	stream.indirect.gather [hbm4b:s5+s16], $0x80, s30, s16, $0xb8;
	[tilespmem:$0x1E800] =	vst v63  }
0x51: {  	_ =	swait.ge [sflag:s20], $0x4000  }
0x52: {  	[sflag:s20] =	ssyncset.done $0x0  }
0x53: {  	s31 =	sadd.s32 $0x1480, s25;
	[sflag:s20] =	ssyncadd.s32 $0xFFFFC000  }
0x54: {  	[spmem:s3] =	stream.indirect.scatter.add.f32 [tilespmem:s18], [sflag:$0x3], $0x80, s31, s16, $0xb8;
	[tilespmem:$0x1E800] =	vst v63  }
0x55: {  	_ =	swait.ge [sflag:s14], $0x4000  }
0x56: {  	[sflag:s14] =	ssyncset.done $0x0  }
0x57: {  	[sflag:s14] =	ssyncadd.s32 $0xFFFFC000  }
0x58: {  	[tilespmem:s18], [sflag:$0x2] =	stream.indirect.gather [hbm4b:s5+s16], $0x80, s21, s16, $0xb8;
	[tilespmem:$0x1E800] =	vst v63  }
0x59: {  	_ =	swait.ge [sflag:s19], $0x4000  }
0x5a: {  	[sflag:s19] =	ssyncset.done $0x0  }
0x5b: {  	[sflag:s19] =	ssyncadd.s32 $0xFFFFC000  }
0x5c: {  	[spmem:s3] =	stream.indirect.scatter.add.f32 [tilespmem:s17], [sflag:$0x3], $0x80, s22, s16, $0xb8;
	[tilespmem:$0x1E800] =	vst v63  }
0x5d: {  	_ =	swait.ge [sflag:s14], $0x4000  }
0x5e: {  	[sflag:s14] =	ssyncset.done $0x0  }
0x5f: {  	[sflag:s14] =	ssyncadd.s32 $0xFFFFC000  }
0x60: {  	s24 =	sadd.s32 $0x1, s24;
	_ =	swait.ge [sflag:s20], $0x4000  }
0x61: {  	p0 =	sne.s32 s24, $0x4;
	[sflag:s20] =	ssyncset.done $0x0  }
.Ltmp1:
0x62: {  	[sflag:s20] =	ssyncadd.s32 $0xFFFFC000;
	(pc) =	sbr.rel @p0 .LBB2_2-.Ltmp1, $4  }
0x63: {  	[spmem:s3] =	stream.indirect.scatter.add.f32 [tilespmem:s18], [sflag:$0x3], $0x80, s23, s16, $0xb8;
	[tilespmem:$0x1E800] =	vst v63  }
0x64: {  	_ =	swait.ge [sflag:s14], $0x4000  }
0x65: {  	[sflag:s14] =	ssyncset.done $0x0  }
0x66: {  	[sflag:s14] =	ssyncadd.s32 $0xFFFFC000  }
0x67: {  	s4 =	sadd.s32 $0x1, s4  }
0x68: {  	p0 =	sne.s32 s4, s12  }
.Ltmp2:
0x69: {  	[bflag:$0x0] =	sbarrier.arrive $0xFFFF;
	(pc) =	sbr.rel @p0 .LBB2_1-.Ltmp2, $4  }
0x6a: {  	[hbm:s11], [sflag:s9] =	dma.local [spmem:s13], $0x2800  }
0x6b: {  	_ =	swait.ge [sflag:s14], $0x2800  }
0x6c: {  	[sflag:s14] =	ssyncset.done $0x0  }
0x6d: {  	[sflag:s14] =	ssyncadd.s32 $0xFFFFD800  }
0x6e: {  	_ =	sfence.sel $0x180000  }
0x6f: {  	[bflag:$0x0] =	sbarrier.arrive $0xFFFF  }
0x70: {  	p0 =	sne.s32 s1, $0x0;
	_ =	strace $0x9000004A  }
0x71: {  	s0 =	sadd.s32 @!p0 $0x100000, s0;
	[bflag:$0x2] =	sbarrier.arrive $0xFFFF  }
0x72: {  	[sflag:s0] =	ssyncadd.tile.s32 @!p0 $0x1;
	_ =	shalt  }
.Lfunc_end2:
_tile_overlayer_lowered:
.L_overlay_start_2:
0x73: {  	(tag) =	ssettag $0x2  }
0x74: {  	s0 =	rddreg [dreg:$0x0];
	s2 =	stileid.u32  }
0x75: {  	s1 =	rddreg [dreg:$0x1];
	p0 =	sne.s32 s2, $0x0  }
0x76: {  	s3 =	rddreg [dreg:$0x2];
	[bflag:$0x3] =	sbarrier.arrive $0xFFFF;
	s2 =	simm.s32 @!p0 $0x1C03  }
0x77: {  	[timem:s3], [sflag:s2] =	dma.local @!p0 [hbm:s0], s1  }
0x78: {  	s0 =	simm.s32 @!p0 $0x3  }
0x79: {  	_ =	swait.ge @!p0 [sflag:s0], s1  }
0x7a: {  	s1 =	ssub.s32 @!p0 $0x0, s1;
	[sflag:s0] =	ssyncset.done @!p0 $0x0  }
0x7b: {  	[sflag:s0] =	ssyncadd.s32 @!p0 s1  }
0x7c: {  	[bflag:$0x3] =	sbarrier.arrive $0xFFFF  }
0x7d: {  	_ =	shalt  }

// kernel: kernel.15.cloned.1.call-start
scs
__scs_entry_jumppad:
0x0: {  	(pc) =	sbr.rel $0x88, $3  }
0x1: {  	(tag) =	ssettag $0x0;
	lr =	simm.s32 $0x1  }
0x2: {  	[smem:$0x3F84] =	sst lr;
	_ =	strace $0xD0000000  }
0x3: {  	_ = 	snop  }
0x4: {  	_ = 	snop  }
0x5: {  	_ = 	snop  }
0x6: {  	_ = 	snop  }
0x7: {  	_ = 	snop  }
__scs_overlays_trampoline_lowered:
0x8: {  	[smem:$0x3F93] =	sst s0  }
0x9: {  	[smem:$0x3F94] =	sst s1  }
0xa: {  	[smem:$0x3F95] =	sst s2  }
0xb: {  	[smem:$0x3F96] =	sst s3  }
0xc: {  	[smem:$0x3F97] =	sst s4  }
0xd: {  	[smem:$0x3F98] =	sst s5  }
0xe: {  	[smem:$0x3F99] =	sst s6  }
0xf: {  	[smem:$0x3F9A] =	sst s7  }
0x10: {  	[smem:$0x3F9B] =	sst s8  }
0x11: {  	[smem:$0x3F9C] =	sst s9;
	s0 =	simm.s32 @!p0 $0x0  }
0x12: {  	s1 =	sld [smem:$0x3F82];
	s0 =	simm.s32 @p0 $0x1  }
0x13: {  	[smem:$0x3F9D] =	sst s0;
	s0 =	simm.s32 @!p1 $0x0  }
0x14: {  	s2 =	sld [smem:$0x3F81];
	s0 =	simm.s32 @p1 $0x1  }
0x15: {  	[smem:$0x3F9E] =	sst s0;
	s0 =	simm.s32 @!p2 $0x0  }
0x16: {  	s3 =	sld [smem:$0x3FDB];
	s0 =	simm.s32 @p2 $0x1  }
0x17: {  	s4 =	simm.s32 $0x1BF5;
	[smem:$0x3FA0] =	sst s0  }
0x18: {  	s0 =	sld [smem:$0x3F83];
	_ =	swait.ge [sflag:s4], $0x0  }
0x19: {  	s7 =	sld [smem:$0x3F84]  }
0x1a: {  	s8 =	sadd.s32 $0xFFFFE003, lr  }
0x1b: {  	s9 =	sadd.s32 $0xFFFFFEF7, lr;
	s5 =	simm.s32 $0xFFFFFFFF;
	p2 =	slt.u32 s8, $0xFFFFF086  }
0x1c: {  	p1 =	slt.u32 s9, $0xF7A;
	s5 =	simm.s32 @!p2 $0x0  }
0x1d: {  	s5 =	simm.s32 @p1 $0x1;
	p0 =	seq.s32 s7, s2  }
0x1e: {  	s7 =	smul.u32 @!p0 $0xF7A, s2;
	p2 =	seq.s32 @!p0 s5, $0x0  }
0x1f: {  	s9 =	smul.u32 $0xF7A, s1;
	s8 =	simm.s32 @!p0 $0x1BF5;
	p2 =	por !p2, p0  }
0x20: {  	[sflag:s8] =	ssyncset.s32 @!p0 $0xFFFFF086;
	s6 =	sadd.s32 @!p0 s3, s7;
	s7 =	simm.s32 @!p0 $0x108  }
0x21: {  	s3 =	sadd.s32 s3, s9;
	s6 =	sadd.s32 @!p0 $0x88, s6;
	s7 =	simm.s32 @p2 $0x1082  }
0x22: {  	[simem:s7], [sflag:s8] =	dma.local @!p0 [hbm:s6], $0xF7A  }
0x23: {  	s9 =	sor.u32 $0xD0000000, s2;
	s6 =	simm.s32 $0x108;
	_ =	swait.ge @!p0 [sflag:s8], $0x0  }
0x24: {  	s3 =	sadd.s32 $0x88, s3;
	s6 =	simm.s32 @!p1 $0x1082;
	[sflag:s4] =	ssyncset.s32 $0xFFFFF086  }
0x25: {  	[simem:s6], [sflag:s4] =	dma.local [hbm:s3], $0xF7A  }
0x26: {  	[smem:$0x3F84] =	sst s1;
	(tag) =	ssettag s2;
	_ =	strace s9  }
0x27: {  	s1 =	sld [smem:$0x3F94]  }
0x28: {  	s2 =	sld [smem:$0x3F95]  }
0x29: {  	s4 =	sld [smem:$0x3F97]  }
0x2a: {  	p0 =	seq.s32 s5, $0x0;
	s5 =	sld [smem:$0x3F98]  }
0x2b: {  	s6 =	sld [smem:$0x3F99]  }
0x2c: {  	s7 =	sld [smem:$0x3F9A]  }
0x2d: {  	s3 =	simm.s32 $0x108;
	s8 =	sld [smem:$0x3F9B]  }
0x2e: {  	s3 =	simm.s32 @!p0 $0x1082;
	s9 =	sld [smem:$0x3F9C]  }
0x2f: {  	lr =	sadd.s32 s0, s3;
	s0 =	sld [smem:$0x3F93]  }
0x30: {  	s3 =	sld [smem:$0x3F96]  }
0x31: {  	[smem:$0x3F9F] =	sst s10  }
0x32: {  	s10 =	sld [smem:$0x3F9D];
	_ =	sdelay $0x3  }
0x33: {  	p0 =	seq.s32 s10, $0x1;
	s10 =	sld [smem:$0x3F9F];
	_ =	sdelay $0x3  }
0x34: {  	[smem:$0x3F9F] =	sst s10  }
0x35: {  	s10 =	sld [smem:$0x3F9E];
	_ =	sdelay $0x3  }
0x36: {  	p1 =	seq.s32 s10, $0x1;
	s10 =	sld [smem:$0x3F9F];
	_ =	sdelay $0x3  }
0x37: {  	[smem:$0x3F9F] =	sst s10  }
0x38: {  	s10 =	sld [smem:$0x3FA0]  }
0x39: {  	_ = 	snop;
	(pc) =	sbr.ind lr, $3  }
0x3a: {  	_ = 	snop  }
0x3b: {  	_ = 	snop  }
0x3c: {  	p2 =	seq.s32 s10, $0x1;
	s10 =	sld [smem:$0x3F9F]  }
0x3d: {  	_ =	shalt  }
0x3e: {  	_ =	shalt  }
0x3f: {  	_ =	shalt  }
0x40: {  	_ =	shalt  }
0x41: {  	_ =	shalt  }
0x42: {  	_ =	shalt  }
0x43: {  	_ =	shalt  }
0x44: {  	_ =	shalt  }
0x45: {  	_ =	shalt  }
0x46: {  	_ =	shalt  }
0x47: {  	_ =	shalt  }
0x48: {  	_ =	shalt  }
0x49: {  	_ =	shalt  }
0x4a: {  	_ =	shalt  }
0x4b: {  	_ =	shalt  }
0x4c: {  	_ =	shalt  }
0x4d: {  	_ =	shalt  }
0x4e: {  	_ =	shalt  }
0x4f: {  	_ =	shalt  }
0x50: {  	_ =	shalt  }
0x51: {  	_ =	shalt  }
0x52: {  	_ =	shalt  }
0x53: {  	_ =	shalt  }
0x54: {  	_ =	shalt  }
0x55: {  	_ =	shalt  }
0x56: {  	_ =	shalt  }
0x57: {  	_ =	shalt  }
0x58: {  	_ =	shalt  }
0x59: {  	_ =	shalt  }
0x5a: {  	_ =	shalt  }
0x5b: {  	_ =	shalt  }
0x5c: {  	_ =	shalt  }
0x5d: {  	_ =	shalt  }
0x5e: {  	_ =	shalt  }
0x5f: {  	_ =	shalt  }
0x60: {  	_ =	shalt  }
0x61: {  	_ =	shalt  }
0x62: {  	_ =	shalt  }
0x63: {  	_ =	shalt  }
0x64: {  	_ =	shalt  }
0x65: {  	_ =	shalt  }
0x66: {  	_ =	shalt  }
0x67: {  	_ =	shalt  }
0x68: {  	_ =	shalt  }
0x69: {  	_ =	shalt  }
0x6a: {  	_ =	shalt  }
0x6b: {  	_ =	shalt  }
0x6c: {  	_ =	shalt  }
0x6d: {  	_ =	shalt  }
0x6e: {  	_ =	shalt  }
0x6f: {  	_ =	shalt  }
0x70: {  	_ =	shalt  }
0x71: {  	_ =	shalt  }
0x72: {  	_ =	shalt  }
0x73: {  	_ =	shalt  }
0x74: {  	_ =	shalt  }
0x75: {  	_ =	shalt  }
0x76: {  	_ =	shalt  }
0x77: {  	_ =	shalt  }
0x78: {  	_ =	shalt  }
0x79: {  	_ =	shalt  }
0x7a: {  	_ =	shalt  }
0x7b: {  	_ =	shalt  }
0x7c: {  	_ =	shalt  }
0x7d: {  	_ =	shalt  }
0x7e: {  	_ =	shalt  }
0x7f: {  	_ =	shalt  }
0x80: {  	_ =	shalt  }
0x81: {  	_ =	shalt  }
0x82: {  	_ =	shalt  }
0x83: {  	_ =	shalt  }
0x84: {  	_ =	shalt  }
0x85: {  	_ =	shalt  }
0x86: {  	_ =	shalt  }
0x87: {  	_ =	shalt  }
.Lfunc_end0:
.L_simem_size_0:
called_computation.2_lowered:
.L_overlay_start_0:
0x88: {  	s2 =	sld [smem:$0x3FD9]  }
0x89: {  	s3 =	sld [smem:$0x3FFE];
	_ =	sdelay $0x1  }
0x8a: {  	s1 =	srdreg.scid  }
0x8b: {  	s0 =	sand.u32 $0x1, s1  }
0x8c: {  	s14 =	sshll.u32 s0, $0xA;
	s2 =	sadd.s32 s3, s2  }
0x8d: {  	s2 =	sadd.s32 s2, s14  }
0x8e: {  	[smem:$0x3FAB] =	sst s2  }
0x8f: {  	_ = 	snop  }
0x90: {  	s2 =	sld [smem:$0x3FD0];
	_ =	sdelay $0x2  }
0x91: {  	s15 =	simm.s32 $0xA;
	s4 =	simm.s32 $0x10  }
0x92: {  	[smem:s4], [sflag:s15] =	dma.local [hbm:s2], $0x1  }
0x93: {  	_ =	swait.eq [sflag:s15], $0x1  }
0x94: {  	[sflag:s15] =	ssyncset.done $0x0  }
0x95: {  	[sflag:s15] =	ssyncadd.s32 $0xFFFFFFFF  }
0x96: {  	s16 =	sld [smem:$0x11];
	(tm) =	ssettm $0x1  }
0x97: {  	s17 =	sld [smem:$0x3FFB];
	_ =	sdelay $0x3  }
0x98: {  	_ =	strace s17  }
0x99: {  	s3 =	sld [smem:$0x3FFC];
	_ =	sdelay $0x3  }
0x9a: {  	_ =	strace s3  }
0x9b: {  	s3 =	sld [smem:$0x3FFD];
	_ =	sdelay $0x3  }
0x9c: {  	_ =	strace s3  }
0x9d: {  	_ =	strace $0x8FFFFFFF  }
0x9e: {  	s18 =	sld [smem:$0x3FDB];
	_ =	sdelay $0x1  }
0x9f: {  	s19 =	simm.s32 $_scs_section_size  }
0xa0: {  	s5 =	simm.s32 $_size__tile_overlayer_lowered;
	s6 =	simm.s32 $_tile_overlayer_lowered  }
0xa1: {  	s22 =	simm.s32 $0x1BFF;
	s21 =	sshll.u32 s6, $0x1;
	s3 =	sadd.s32 s19, s18  }
0xa2: {  	s7 =	simm.s32 $0x0;
	s20 =	sshll.u32 s5, $0x1;
	s5 =	sadd.s32 s21, s3  }
0xa3: {  	[timem:s7], [sflag:s22] =	dma.local [hbm:s5], s20  }
0xa4: {  	_ =	swait.ge [sflag:s22], s20  }
0xa5: {  	s4 =	ssub.s32 $0x0, s20;
	[sflag:s22] =	ssyncset.done $0x0  }
0xa6: {  	[sflag:s22] =	ssyncadd.s32 s4;
	_ =	sdelay $0x1  }
0xa7: {  	s23 =	simm.s32 $0x1B8B  }
0xa8: {  	_ =	swait.ge [sflag:s23], $0x1  }
0xa9: {  	[sflag:s23] =	ssyncset.done $0x0  }
0xaa: {  	s25 =	simm.s32 $0x1B8E;
	s24 =	sld [smem:$0x3FFE];
	[sflag:s23] =	ssyncadd.s32 $0xFFFFFFFF  }
0xab: {  	s26 =	simm.s32 $execute0_lowered;
	[smem:$0x3FD2] =	sst s25  }
0xac: {  	s5 =	sshll.u32 s26, $0x1;
	_ =	strace $0x8000004C;
	[dreg:$0x1] =	wrdreg $0xFFFFFFFF  }
0xad: {  	s28 =	simm.s32 $_size_execute0_lowered;
	s3 =	sadd.s32 s3, s5;
	[dreg:$0x0] =	wrdreg $0x0  }
0xae: {  	s5 =	sshll.u32 s28, $0x1;
	[dreg:$0x2] =	wrdreg s3  }
0xaf: {  	[dreg:$0x3] =	wrdreg s5  }
0xb0: {  	[dreg:$0x4] =	wrdreg $0xC0  }
0xb1: {  	_ =	task [dreg:s7], $0x5FFFF  }
0xb2: {  	[dreg:$0x1] =	wrdreg $0xFFFFFFFF  }
0xb3: {  	[dreg:$0x0] =	wrdreg $0x60  }
0xb4: {  	[dreg:$0x2] =	wrdreg s24  }
0xb5: {  	[dreg:$0x3] =	wrdreg s16  }
0xb6: {  	[dreg:$0x4] =	wrdreg $0xA8000  }
0xb7: {  	[dreg:$0x5] =	wrdreg $0x9  }
0xb8: {  	_ =	task.clear_ibuf [dreg:s7], $0x6FFFF;
	_ =	strace $0x9000004C  }
0xb9: {  	s29 =	simm.s32 $0x9;
	_ =	strace $0x8000004E  }
0xba: {  	_ =	swait.ge [sflag:s29], $0x1  }
0xbb: {  	[sflag:s29] =	ssyncadd.s32 $0xFFFFFFFF  }
0xbc: {  	_ =	strace $0x9000004E  }
0xbd: {  	_ =	sfence  }
0xbe: {  	s30 =	sld [smem:$0x0];
	_ =	sdelay $0x2  }
0xbf: {  	s31 =	sshll.u32 s1, $0xD;
	s1 =	sshrl.u32 s1, $0x2  }
0xc0: {  	s3 =	sand.u32 $0x4000, s31;
	s1 =	sadd.s32 s1, s30  }
0xc1: {  	s0 =	sor.u32 s3, s0;
	s1 =	sshll.u32 s1, $0x11  }
0xc2: {  	s0 =	sor.u32 s1, s0  }
0xc3: {  	s0 =	sadd.s32 $0x8F2B, s0  }
0xc4: {  	[sflag:s0] =	ssyncadd.remote.s32 $0x1  }
0xc5: {  	_ =	sfence.sel $0xFFFF  }
0xc6: {  	[dreg:$0x0] =	wrdreg $0xFFFFFFFF;
	(pc) =	sbr.abs _section_cstart, $3  }
0xc7: {  	[dreg:$0x1] =	wrdreg $0xFFFFFFFF  }
0xc8: {  	_ =	task.clear_ibuf [dreg:s7], $0x2FFFF;
	_ =	strace $0x9FFFFFFF  }
0xc9: {  	(tm) =	ssettm $0x7FFFFFFF  }
tec
execute0_lowered:
.L_overlay_start_1:
0x0: {  	(tag) =	ssettag $0x1  }
0x1: {  	s7 =	rddreg [dreg:$0x0]  }
0x2: {  	s2 =	rddreg [dreg:$0x1]  }
0x3: {  	s3 =	rddreg [dreg:$0x2]  }
0x4: {  	s0 =	rddreg [dreg:$0x3]  }
0x5: {  	s4 =	simm.s32 $0x0;
	s1 =	stileid.u32;
	s5 =	srdreg.scid  }
0x6: {  	s16 =	simm.s32 $0x80;
	s17 =	simm.s32 $0x2800;
	s18 =	simm.s32 $0x6800  }
0x7: {  	s19 =	simm.s32 $0x1;
	s20 =	simm.s32 $0x2;
	s21 =	simm.s32 $0x1380  }
0x8: {  	s22 =	simm.s32 $0x2700;
	s23 =	simm.s32 $0x2780;
	[smem:$0x7FF] =	sst s4  }
0x9: {  	s8 =	smul.u32 $0x14000, s1;
	s10 =	sand.u32 $0x1, s5;
	s5 =	sadd.s32 $0x19000, s7  }
0xa: {  	s6 =	sadd.s32 $0x5000, s7;
	s12 =	smul.u32 $0x50000, s1;
	s31 =	sshll.u32 s1, $0x6  }
0xb: {  	_ =	strace $0x8000004D;
	s9 =	smul.u32 $0x140000, s10;
	s30 =	ssub.s32 $0x2, s10  }
0xc: {  	s10 =	smul.u32 $0x50000, s10;
	s11 =	sshrl.u32 s8, $0x3;
	s13 =	sshrl.u32 s30, $0x1  }
0xd: {  	s12 =	sshrl.u32 s12, $0x2;
	s11 =	sadd.s32 s11, s7;
	s8 =	sadd.s32 s8, s9  }
0xe: {  	s13 =	ssub.s32 s30, s13;
	s15 =	sadd.s32 s12, s3;
	s9 =	sor.u32 $0x1C03, s31  }
0xf: {  	s8 =	sshrl.u32 s8, $0x3;
	s12 =	smax.u32 s13, $0x1;
	s13 =	sshrl.u32 s15, $0x3  }
0x10: {  	s15 =	simm.s32 $0x1400;
	s14 =	sadd.s32 s8, s7;
	s7 =	sadd.s32 $0x67200, s11  }
0x11: {  	s8 =	smul.u32 $0xA0, s1;
	s11 =	sadd.s32 $0x8F200, s14;
	s14 =	simm.s32 $0x3  }
.LBB2_1:
0x12: {  	[spmem:s13], [sflag:s9] =	dma.local [hbm:s7], $0x2800  }
0x13: {  	_ =	swait.ge [sflag:s14], $0x2800  }
0x14: {  	[sflag:s14] =	ssyncset.done $0x0  }
0x15: {  	[sflag:s14] =	ssyncadd.s32 $0xFFFFD800  }
0x16: {  	s24 =	simm.s32 $0x0;
	[bflag:$0x0] =	sbarrier.arrive $0xFFFF  }
.LBB2_2:
0x17: {  	s25 =	smul.u32 $0x28, s24;
	_ =	sdelay $0x1  }
0x18: {  	s25 =	sadd.s32 s8, s25  }
0x19: {  	s26 =	sshll.u32 s25, $0x7  }
0x1a: {  	s26 =	sadd.s32 s10, s26  }
0x1b: {  	s26 =	sshrl.u32 s26, $0x3  }
0x1c: {  	s28 =	simm.s32 $0x0;
	s26 =	sadd.s32 s6, s26  }
0x1d: {  	[tilespmem:s28], [sflag:$0x3] =	stream.linear.gather [hbm4b:s26+s28], $0x1400, $0x38;
	[tilespmem:$0x1E800] =	vst v63  }
0x1e: {  	_ =	swait.ge [sflag:s14], $0x1400  }
0x1f: {  	s25 =	sshll.u32 s25, $0x4;
	[sflag:s14] =	ssyncset.done $0x0  }
0x20: {  	s25 =	sadd.s32 s2, s25;
	[sflag:s14] =	ssyncadd.s32 $0xFFFFEC00  }
0x21: {  	[tilespmem:s15], [sflag:$0x3] =	stream.linear.gather [hbm4b:s25+s28], $0x1400, $0x38;
	[tilespmem:$0x1E800] =	vst v63  }
0x22: {  	_ =	swait.ge [sflag:s14], $0x1400  }
0x23: {  	[sflag:s14] =	ssyncset.done $0x0  }
0x24: {  	[sflag:s14] =	ssyncadd.s32 $0xFFFFEC00  }
0x25: {  	[tilespmem:s17], [sflag:$0x1] =	stream.indirect.gather [hbm4b:s5+s16], $0x80, s28, s16, $0xb8;
	[tilespmem:$0x1E800] =	vst v63  }
0x26: {  	s28 =	simm.s32 $0x80  }
0x27: {  	[tilespmem:s18], [sflag:$0x2] =	stream.indirect.gather [hbm4b:s5+s16], $0x80, s28, s16, $0xb8;
	[tilespmem:$0x1E800] =	vst v63  }
0x28: {  	_ =	swait.ge [sflag:s19], $0x4000  }
0x29: {  	[sflag:s19] =	ssyncset.done $0x0  }
0x2a: {  	s29 =	simm.s32 $0x1400;
	[sflag:s19] =	ssyncadd.s32 $0xFFFFC000  }
0x2b: {  	[spmem:s3] =	stream.indirect.scatter.add.f32 [tilespmem:s17], [sflag:$0x3], $0x80, s29, s16, $0xb8;
	[tilespmem:$0x1E800] =	vst v63  }
0x2c: {  	_ =	swait.ge [sflag:s14], $0x4000  }
0x2d: {  	[sflag:s14] =	ssyncset.done $0x0  }
0x2e: {  	s30 =	simm.s32 $0x100;
	[sflag:s14] =	ssyncadd.s32 $0xFFFFC000  }
0x2f: {  	[tilespmem:s17], [sflag:$0x1] =	stream.indirect.gather [hbm4b:s5+s16], $0x80, s30, s16, $0xb8;
	[tilespmem:$0x1E800] =	vst v63  }
0x30: {  	_ =	swait.ge [sflag:s20], $0x4000  }
0x31: {  	[sflag:s20] =	ssyncset.done $0x0  }
0x32: {  	s31 =	simm.s32 $0x1480;
	[sflag:s20] =	ssyncadd.s32 $0xFFFFC000  }
0x33: {  	[spmem:s3] =	stream.indirect.scatter.add.f32 [tilespmem:s18], [sflag:$0x3], $0x80, s31, s16, $0xb8;
	[tilespmem:$0x1E800] =	vst v63  }
0x34: {  	_ =	swait.ge [sflag:s14], $0x4000  }
0x35: {  	s26 =	simm.s32 $0x800;
	s25 =	simm.s32 $0x100;
	[sflag:s14] =	ssyncset.done $0x0  }
.LBB2_3:
0x36: {  	s28 =	sadd.s32 $0x80, s25  }
0x37: {  	[sflag:s14] =	ssyncadd.s32 $0xFFFFC000;
	s29 =	smov.u32 s26;
	s30 =	sadd.s32 $0x400, s26  }
0x38: {  	[tilespmem:s18], [sflag:$0x2] =	stream.indirect.gather [hbm4b:s5+s16], $0x80, s28, s16, $0xb8;
	[tilespmem:$0x1E800] =	vst v63  }
0x39: {  	p0 =	sne.s32 s26, $0x4800;
	_ =	swait.ge [sflag:s19], $0x4000  }
0x3a: {  	[sflag:s19] =	ssyncset.done $0x0  }
0x3b: {  	s26 =	sadd.s32 $0x1400, s25;
	[sflag:s19] =	ssyncadd.s32 $0xFFFFC000  }
0x3c: {  	[spmem:s3] =	stream.indirect.scatter.add.f32 [tilespmem:s17], [sflag:$0x3], $0x80, s26, s16, $0xb8;
	[tilespmem:$0x1E800] =	vst v63  }
0x3d: {  	_ =	swait.ge [sflag:s14], $0x4000  }
0x3e: {  	[sflag:s14] =	ssyncset.done $0x0  }
0x3f: {  	s26 =	sadd.s32 $0x100, s25;
	[sflag:s14] =	ssyncadd.s32 $0xFFFFC000  }
0x40: {  	[tilespmem:s17], [sflag:$0x1] =	stream.indirect.gather [hbm4b:s5+s16], $0x80, s26, s16, $0xb8;
	[tilespmem:$0x1E800] =	vst v63  }
0x41: {  	_ =	swait.ge [sflag:s20], $0x4000  }
.Ltmp0:
0x42: {  	[sflag:s20] =	ssyncset.done $0x0;
	(pc) =	sbr.rel @p0 .LBB2_3-.Ltmp0, $4  }
0x43: {  	s25 =	sadd.s32 $0x1480, s25;
	[sflag:s20] =	ssyncadd.s32 $0xFFFFC000  }
0x44: {  	[spmem:s3] =	stream.indirect.scatter.add.f32 [tilespmem:s18], [sflag:$0x3], $0x80, s25, s16, $0xb8;
	[tilespmem:$0x1E800] =	vst v63  }
0x45: {  	_ =	swait.ge [sflag:s14], $0x4000  }
0x46: {  	s26 =	smov.u32 s30;
	s25 =	sshra.s32 s29, $0x2;
	[sflag:s14] =	ssyncset.done $0x0  }
0x47: {  	s26 =	sadd.s32 $0x80, s25;
	[sflag:s14] =	ssyncadd.s32 $0xFFFFC000  }
0x48: {  	[tilespmem:s18], [sflag:$0x2] =	stream.indirect.gather [hbm4b:s5+s16], $0x80, s26, s16, $0xb8;
	[tilespmem:$0x1E800] =	vst v63  }
0x49: {  	_ =	swait.ge [sflag:s19], $0x4000  }
0x4a: {  	[sflag:s19] =	ssyncset.done $0x0  }
0x4b: {  	s29 =	sadd.s32 $0x1400, s25;
	[sflag:s19] =	ssyncadd.s32 $0xFFFFC000  }
0x4c: {  	[spmem:s3] =	stream.indirect.scatter.add.f32 [tilespmem:s17], [sflag:$0x3], $0x80, s29, s16, $0xb8;
	[tilespmem:$0x1E800] =	vst v63  }
0x4d: {  	_ =	swait.ge [sflag:s14], $0x4000  }
0x4e: {  	[sflag:s14] =	ssyncset.done $0x0  }
0x4f: {  	s30 =	sadd.s32 $0x100, s25;
	[sflag:s14] =	ssyncadd.s32 $0xFFFFC000  }
0x50: {  	[tilespmem:s17], [sflag:$0x1] =	stream.indirect.gather [hbm4b:s5+s16], $0x80, s30, s16, $0xb8;
	[tilespmem:$0x1E800] =	vst v63  }
0x51: {  	_ =	swait.ge [sflag:s20], $0x4000  }
0x52: {  	[sflag:s20] =	ssyncset.done $0x0  }
0x53: {  	s31 =	sadd.s32 $0x1480, s25;
	[sflag:s20] =	ssyncadd.s32 $0xFFFFC000  }
0x54: {  	[spmem:s3] =	stream.indirect.scatter.add.f32 [tilespmem:s18], [sflag:$0x3], $0x80, s31, s16, $0xb8;
	[tilespmem:$0x1E800] =	vst v63  }
0x55: {  	_ =	swait.ge [sflag:s14], $0x4000  }
0x56: {  	[sflag:s14] =	ssyncset.done $0x0  }
0x57: {  	[sflag:s14] =	ssyncadd.s32 $0xFFFFC000  }
0x58: {  	[tilespmem:s18], [sflag:$0x2] =	stream.indirect.gather [hbm4b:s5+s16], $0x80, s21, s16, $0xb8;
	[tilespmem:$0x1E800] =	vst v63  }
0x59: {  	_ =	swait.ge [sflag:s19], $0x4000  }
0x5a: {  	[sflag:s19] =	ssyncset.done $0x0  }
0x5b: {  	[sflag:s19] =	ssyncadd.s32 $0xFFFFC000  }
0x5c: {  	[spmem:s3] =	stream.indirect.scatter.add.f32 [tilespmem:s17], [sflag:$0x3], $0x80, s22, s16, $0xb8;
	[tilespmem:$0x1E800] =	vst v63  }
0x5d: {  	_ =	swait.ge [sflag:s14], $0x4000  }
0x5e: {  	[sflag:s14] =	ssyncset.done $0x0  }
0x5f: {  	[sflag:s14] =	ssyncadd.s32 $0xFFFFC000  }
0x60: {  	s24 =	sadd.s32 $0x1, s24;
	_ =	swait.ge [sflag:s20], $0x4000  }
0x61: {  	p0 =	sne.s32 s24, $0x4;
	[sflag:s20] =	ssyncset.done $0x0  }
.Ltmp1:
0x62: {  	[sflag:s20] =	ssyncadd.s32 $0xFFFFC000;
	(pc) =	sbr.rel @p0 .LBB2_2-.Ltmp1, $4  }
0x63: {  	[spmem:s3] =	stream.indirect.scatter.add.f32 [tilespmem:s18], [sflag:$0x3], $0x80, s23, s16, $0xb8;
	[tilespmem:$0x1E800] =	vst v63  }
0x64: {  	_ =	swait.ge [sflag:s14], $0x4000  }
0x65: {  	[sflag:s14] =	ssyncset.done $0x0  }
0x66: {  	[sflag:s14] =	ssyncadd.s32 $0xFFFFC000  }
0x67: {  	s4 =	sadd.s32 $0x1, s4  }
0x68: {  	p0 =	sne.s32 s4, s12  }
.Ltmp2:
0x69: {  	[bflag:$0x0] =	sbarrier.arrive $0xFFFF;
	(pc) =	sbr.rel @p0 .LBB2_1-.Ltmp2, $4  }
0x6a: {  	[hbm:s11], [sflag:s9] =	dma.local [spmem:s13], $0x2800  }
0x6b: {  	_ =	swait.ge [sflag:s14], $0x2800  }
0x6c: {  	[sflag:s14] =	ssyncset.done $0x0  }
0x6d: {  	[sflag:s14] =	ssyncadd.s32 $0xFFFFD800  }
0x6e: {  	_ =	sfence.sel $0x180000  }
0x6f: {  	[bflag:$0x0] =	sbarrier.arrive $0xFFFF  }
0x70: {  	p0 =	sne.s32 s1, $0x0;
	_ =	strace $0x9000004D  }
0x71: {  	s0 =	sadd.s32 @!p0 $0x100000, s0;
	[bflag:$0x2] =	sbarrier.arrive $0xFFFF  }
0x72: {  	[sflag:s0] =	ssyncadd.tile.s32 @!p0 $0x1;
	_ =	shalt  }
.Lfunc_end2:
_tile_overlayer_lowered:
.L_overlay_start_2:
0x73: {  	(tag) =	ssettag $0x2  }
0x74: {  	s0 =	rddreg [dreg:$0x0];
	s2 =	stileid.u32  }
0x75: {  	s1 =	rddreg [dreg:$0x1];
	p0 =	sne.s32 s2, $0x0  }
0x76: {  	s3 =	rddreg [dreg:$0x2];
	[bflag:$0x3] =	sbarrier.arrive $0xFFFF;
	s2 =	simm.s32 @!p0 $0x1C03  }
0x77: {  	[timem:s3], [sflag:s2] =	dma.local @!p0 [hbm:s0], s1  }
0x78: {  	s0 =	simm.s32 @!p0 $0x3  }
0x79: {  	_ =	swait.ge @!p0 [sflag:s0], s1  }
0x7a: {  	s1 =	ssub.s32 @!p0 $0x0, s1;
	[sflag:s0] =	ssyncset.done @!p0 $0x0  }
0x7b: {  	[sflag:s0] =	ssyncadd.s32 @!p0 s1  }
0x7c: {  	[bflag:$0x3] =	sbarrier.arrive $0xFFFF  }
0x7d: {  	_ =	shalt  }

// kernel: kernel.9.cloned.1.call-start
scs
__scs_entry_jumppad:
0x0: {  	(pc) =	sbr.rel $0x88, $3  }
0x1: {  	(tag) =	ssettag $0x0;
	lr =	simm.s32 $0x1  }
0x2: {  	[smem:$0x3F84] =	sst lr;
	_ =	strace $0xD0000000  }
0x3: {  	_ = 	snop  }
0x4: {  	_ = 	snop  }
0x5: {  	_ = 	snop  }
0x6: {  	_ = 	snop  }
0x7: {  	_ = 	snop  }
__scs_overlays_trampoline_lowered:
0x8: {  	[smem:$0x3F93] =	sst s0  }
0x9: {  	[smem:$0x3F94] =	sst s1  }
0xa: {  	[smem:$0x3F95] =	sst s2  }
0xb: {  	[smem:$0x3F96] =	sst s3  }
0xc: {  	[smem:$0x3F97] =	sst s4  }
0xd: {  	[smem:$0x3F98] =	sst s5  }
0xe: {  	[smem:$0x3F99] =	sst s6  }
0xf: {  	[smem:$0x3F9A] =	sst s7  }
0x10: {  	[smem:$0x3F9B] =	sst s8  }
0x11: {  	[smem:$0x3F9C] =	sst s9;
	s0 =	simm.s32 @!p0 $0x0  }
0x12: {  	s1 =	sld [smem:$0x3F82];
	s0 =	simm.s32 @p0 $0x1  }
0x13: {  	[smem:$0x3F9D] =	sst s0;
	s0 =	simm.s32 @!p1 $0x0  }
0x14: {  	s2 =	sld [smem:$0x3F81];
	s0 =	simm.s32 @p1 $0x1  }
0x15: {  	[smem:$0x3F9E] =	sst s0;
	s0 =	simm.s32 @!p2 $0x0  }
0x16: {  	s3 =	sld [smem:$0x3FDB];
	s0 =	simm.s32 @p2 $0x1  }
0x17: {  	s4 =	simm.s32 $0x1BF5;
	[smem:$0x3FA0] =	sst s0  }
0x18: {  	s0 =	sld [smem:$0x3F83];
	_ =	swait.ge [sflag:s4], $0x0  }
0x19: {  	s7 =	sld [smem:$0x3F84]  }
0x1a: {  	s8 =	sadd.s32 $0xFFFFE003, lr  }
0x1b: {  	s9 =	sadd.s32 $0xFFFFFEF7, lr;
	s5 =	simm.s32 $0xFFFFFFFF;
	p2 =	slt.u32 s8, $0xFFFFF086  }
0x1c: {  	p1 =	slt.u32 s9, $0xF7A;
	s5 =	simm.s32 @!p2 $0x0  }
0x1d: {  	s5 =	simm.s32 @p1 $0x1;
	p0 =	seq.s32 s7, s2  }
0x1e: {  	s7 =	smul.u32 @!p0 $0xF7A, s2;
	p2 =	seq.s32 @!p0 s5, $0x0  }
0x1f: {  	s9 =	smul.u32 $0xF7A, s1;
	s8 =	simm.s32 @!p0 $0x1BF5;
	p2 =	por !p2, p0  }
0x20: {  	[sflag:s8] =	ssyncset.s32 @!p0 $0xFFFFF086;
	s6 =	sadd.s32 @!p0 s3, s7;
	s7 =	simm.s32 @!p0 $0x108  }
0x21: {  	s3 =	sadd.s32 s3, s9;
	s6 =	sadd.s32 @!p0 $0x88, s6;
	s7 =	simm.s32 @p2 $0x1082  }
0x22: {  	[simem:s7], [sflag:s8] =	dma.local @!p0 [hbm:s6], $0xF7A  }
0x23: {  	s9 =	sor.u32 $0xD0000000, s2;
	s6 =	simm.s32 $0x108;
	_ =	swait.ge @!p0 [sflag:s8], $0x0  }
0x24: {  	s3 =	sadd.s32 $0x88, s3;
	s6 =	simm.s32 @!p1 $0x1082;
	[sflag:s4] =	ssyncset.s32 $0xFFFFF086  }
0x25: {  	[simem:s6], [sflag:s4] =	dma.local [hbm:s3], $0xF7A  }
0x26: {  	[smem:$0x3F84] =	sst s1;
	(tag) =	ssettag s2;
	_ =	strace s9  }
0x27: {  	s1 =	sld [smem:$0x3F94]  }
0x28: {  	s2 =	sld [smem:$0x3F95]  }
0x29: {  	s4 =	sld [smem:$0x3F97]  }
0x2a: {  	p0 =	seq.s32 s5, $0x0;
	s5 =	sld [smem:$0x3F98]  }
0x2b: {  	s6 =	sld [smem:$0x3F99]  }
0x2c: {  	s7 =	sld [smem:$0x3F9A]  }
0x2d: {  	s3 =	simm.s32 $0x108;
	s8 =	sld [smem:$0x3F9B]  }
0x2e: {  	s3 =	simm.s32 @!p0 $0x1082;
	s9 =	sld [smem:$0x3F9C]  }
0x2f: {  	lr =	sadd.s32 s0, s3;
	s0 =	sld [smem:$0x3F93]  }
0x30: {  	s3 =	sld [smem:$0x3F96]  }
0x31: {  	[smem:$0x3F9F] =	sst s10  }
0x32: {  	s10 =	sld [smem:$0x3F9D];
	_ =	sdelay $0x3  }
0x33: {  	p0 =	seq.s32 s10, $0x1;
	s10 =	sld [smem:$0x3F9F];
	_ =	sdelay $0x3  }
0x34: {  	[smem:$0x3F9F] =	sst s10  }
0x35: {  	s10 =	sld [smem:$0x3F9E];
	_ =	sdelay $0x3  }
0x36: {  	p1 =	seq.s32 s10, $0x1;
	s10 =	sld [smem:$0x3F9F];
	_ =	sdelay $0x3  }
0x37: {  	[smem:$0x3F9F] =	sst s10  }
0x38: {  	s10 =	sld [smem:$0x3FA0]  }
0x39: {  	_ = 	snop;
	(pc) =	sbr.ind lr, $3  }
0x3a: {  	_ = 	snop  }
0x3b: {  	_ = 	snop  }
0x3c: {  	p2 =	seq.s32 s10, $0x1;
	s10 =	sld [smem:$0x3F9F]  }
0x3d: {  	_ =	shalt  }
0x3e: {  	_ =	shalt  }
0x3f: {  	_ =	shalt  }
0x40: {  	_ =	shalt  }
0x41: {  	_ =	shalt  }
0x42: {  	_ =	shalt  }
0x43: {  	_ =	shalt  }
0x44: {  	_ =	shalt  }
0x45: {  	_ =	shalt  }
0x46: {  	_ =	shalt  }
0x47: {  	_ =	shalt  }
0x48: {  	_ =	shalt  }
0x49: {  	_ =	shalt  }
0x4a: {  	_ =	shalt  }
0x4b: {  	_ =	shalt  }
0x4c: {  	_ =	shalt  }
0x4d: {  	_ =	shalt  }
0x4e: {  	_ =	shalt  }
0x4f: {  	_ =	shalt  }
0x50: {  	_ =	shalt  }
0x51: {  	_ =	shalt  }
0x52: {  	_ =	shalt  }
0x53: {  	_ =	shalt  }
0x54: {  	_ =	shalt  }
0x55: {  	_ =	shalt  }
0x56: {  	_ =	shalt  }
0x57: {  	_ =	shalt  }
0x58: {  	_ =	shalt  }
0x59: {  	_ =	shalt  }
0x5a: {  	_ =	shalt  }
0x5b: {  	_ =	shalt  }
0x5c: {  	_ =	shalt  }
0x5d: {  	_ =	shalt  }
0x5e: {  	_ =	shalt  }
0x5f: {  	_ =	shalt  }
0x60: {  	_ =	shalt  }
0x61: {  	_ =	shalt  }
0x62: {  	_ =	shalt  }
0x63: {  	_ =	shalt  }
0x64: {  	_ =	shalt  }
0x65: {  	_ =	shalt  }
0x66: {  	_ =	shalt  }
0x67: {  	_ =	shalt  }
0x68: {  	_ =	shalt  }
0x69: {  	_ =	shalt  }
0x6a: {  	_ =	shalt  }
0x6b: {  	_ =	shalt  }
0x6c: {  	_ =	shalt  }
0x6d: {  	_ =	shalt  }
0x6e: {  	_ =	shalt  }
0x6f: {  	_ =	shalt  }
0x70: {  	_ =	shalt  }
0x71: {  	_ =	shalt  }
0x72: {  	_ =	shalt  }
0x73: {  	_ =	shalt  }
0x74: {  	_ =	shalt  }
0x75: {  	_ =	shalt  }
0x76: {  	_ =	shalt  }
0x77: {  	_ =	shalt  }
0x78: {  	_ =	shalt  }
0x79: {  	_ =	shalt  }
0x7a: {  	_ =	shalt  }
0x7b: {  	_ =	shalt  }
0x7c: {  	_ =	shalt  }
0x7d: {  	_ =	shalt  }
0x7e: {  	_ =	shalt  }
0x7f: {  	_ =	shalt  }
0x80: {  	_ =	shalt  }
0x81: {  	_ =	shalt  }
0x82: {  	_ =	shalt  }
0x83: {  	_ =	shalt  }
0x84: {  	_ =	shalt  }
0x85: {  	_ =	shalt  }
0x86: {  	_ =	shalt  }
0x87: {  	_ =	shalt  }
.Lfunc_end0:
.L_simem_size_0:
called_computation_lowered:
.L_overlay_start_0:
0x88: {  	s2 =	sld [smem:$0x3FD9]  }
0x89: {  	s3 =	sld [smem:$0x3FFE];
	_ =	sdelay $0x1  }
0x8a: {  	s1 =	srdreg.scid  }
0x8b: {  	s0 =	sand.u32 $0x1, s1  }
0x8c: {  	s14 =	sshll.u32 s0, $0xA;
	s2 =	sadd.s32 s3, s2  }
0x8d: {  	s2 =	sadd.s32 s2, s14  }
0x8e: {  	[smem:$0x3FAB] =	sst s2  }
0x8f: {  	_ = 	snop  }
0x90: {  	s2 =	sld [smem:$0x3FD0];
	_ =	sdelay $0x2  }
0x91: {  	s15 =	simm.s32 $0xA;
	s4 =	simm.s32 $0x10  }
0x92: {  	[smem:s4], [sflag:s15] =	dma.local [hbm:s2], $0x1  }
0x93: {  	_ =	swait.eq [sflag:s15], $0x1  }
0x94: {  	[sflag:s15] =	ssyncset.done $0x0  }
0x95: {  	[sflag:s15] =	ssyncadd.s32 $0xFFFFFFFF  }
0x96: {  	s16 =	sld [smem:$0x11];
	(tm) =	ssettm $0x1  }
0x97: {  	s17 =	sld [smem:$0x3FFB];
	_ =	sdelay $0x3  }
0x98: {  	_ =	strace s17  }
0x99: {  	s3 =	sld [smem:$0x3FFC];
	_ =	sdelay $0x3  }
0x9a: {  	_ =	strace s3  }
0x9b: {  	s3 =	sld [smem:$0x3FFD];
	_ =	sdelay $0x3  }
0x9c: {  	_ =	strace s3  }
0x9d: {  	_ =	strace $0x8FFFFFFF  }
0x9e: {  	s18 =	sld [smem:$0x3FDB];
	_ =	sdelay $0x1  }
0x9f: {  	s19 =	simm.s32 $_scs_section_size  }
0xa0: {  	s5 =	simm.s32 $_size__tile_overlayer_lowered;
	s6 =	simm.s32 $_tile_overlayer_lowered  }
0xa1: {  	s22 =	simm.s32 $0x1BFF;
	s21 =	sshll.u32 s6, $0x1;
	s3 =	sadd.s32 s19, s18  }
0xa2: {  	s7 =	simm.s32 $0x0;
	s20 =	sshll.u32 s5, $0x1;
	s5 =	sadd.s32 s21, s3  }
0xa3: {  	[timem:s7], [sflag:s22] =	dma.local [hbm:s5], s20  }
0xa4: {  	_ =	swait.ge [sflag:s22], s20  }
0xa5: {  	s4 =	ssub.s32 $0x0, s20;
	[sflag:s22] =	ssyncset.done $0x0  }
0xa6: {  	[sflag:s22] =	ssyncadd.s32 s4;
	_ =	sdelay $0x1  }
0xa7: {  	s23 =	simm.s32 $0x1B8B  }
0xa8: {  	_ =	swait.ge [sflag:s23], $0x1  }
0xa9: {  	[sflag:s23] =	ssyncset.done $0x0  }
0xaa: {  	s25 =	simm.s32 $0x1B8E;
	s24 =	sld [smem:$0x3FFE];
	[sflag:s23] =	ssyncadd.s32 $0xFFFFFFFF  }
0xab: {  	s26 =	simm.s32 $execute0_lowered;
	[smem:$0x3FD2] =	sst s25  }
0xac: {  	s5 =	sshll.u32 s26, $0x1;
	_ =	strace $0x80000046;
	[dreg:$0x1] =	wrdreg $0xFFFFFFFF  }
0xad: {  	s28 =	simm.s32 $_size_execute0_lowered;
	s3 =	sadd.s32 s3, s5;
	[dreg:$0x0] =	wrdreg $0x0  }
0xae: {  	s5 =	sshll.u32 s28, $0x1;
	[dreg:$0x2] =	wrdreg s3  }
0xaf: {  	[dreg:$0x3] =	wrdreg s5  }
0xb0: {  	[dreg:$0x4] =	wrdreg $0xC0  }
0xb1: {  	_ =	task [dreg:s7], $0x5FFFF  }
0xb2: {  	[dreg:$0x1] =	wrdreg $0xFFFFFFFF  }
0xb3: {  	[dreg:$0x0] =	wrdreg $0x60  }
0xb4: {  	[dreg:$0x2] =	wrdreg s24  }
0xb5: {  	[dreg:$0x3] =	wrdreg s16  }
0xb6: {  	[dreg:$0x4] =	wrdreg $0xA8000  }
0xb7: {  	[dreg:$0x5] =	wrdreg $0x9  }
0xb8: {  	_ =	task.clear_ibuf [dreg:s7], $0x6FFFF;
	_ =	strace $0x90000046  }
0xb9: {  	s29 =	simm.s32 $0x9;
	_ =	strace $0x80000048  }
0xba: {  	_ =	swait.ge [sflag:s29], $0x1  }
0xbb: {  	[sflag:s29] =	ssyncadd.s32 $0xFFFFFFFF  }
0xbc: {  	_ =	strace $0x90000048  }
0xbd: {  	_ =	sfence  }
0xbe: {  	s30 =	sld [smem:$0x0];
	_ =	sdelay $0x2  }
0xbf: {  	s31 =	sshll.u32 s1, $0xD;
	s1 =	sshrl.u32 s1, $0x2  }
0xc0: {  	s3 =	sand.u32 $0x4000, s31;
	s1 =	sadd.s32 s1, s30  }
0xc1: {  	s0 =	sor.u32 s3, s0;
	s1 =	sshll.u32 s1, $0x11  }
0xc2: {  	s0 =	sor.u32 s1, s0  }
0xc3: {  	s0 =	sadd.s32 $0x8F2B, s0  }
0xc4: {  	[sflag:s0] =	ssyncadd.remote.s32 $0x1  }
0xc5: {  	_ =	sfence.sel $0xFFFF  }
0xc6: {  	[dreg:$0x0] =	wrdreg $0xFFFFFFFF;
	(pc) =	sbr.abs _section_cstart, $3  }
0xc7: {  	[dreg:$0x1] =	wrdreg $0xFFFFFFFF  }
0xc8: {  	_ =	task.clear_ibuf [dreg:s7], $0x2FFFF;
	_ =	strace $0x9FFFFFFF  }
0xc9: {  	(tm) =	ssettm $0x7FFFFFFF  }
tec
execute0_lowered:
.L_overlay_start_1:
0x0: {  	(tag) =	ssettag $0x1  }
0x1: {  	s7 =	rddreg [dreg:$0x0]  }
0x2: {  	s2 =	rddreg [dreg:$0x1]  }
0x3: {  	s3 =	rddreg [dreg:$0x2]  }
0x4: {  	s0 =	rddreg [dreg:$0x3]  }
0x5: {  	s4 =	simm.s32 $0x0;
	s1 =	stileid.u32;
	s5 =	srdreg.scid  }
0x6: {  	s16 =	simm.s32 $0x80;
	s17 =	simm.s32 $0x2800;
	s18 =	simm.s32 $0x6800  }
0x7: {  	s19 =	simm.s32 $0x1;
	s20 =	simm.s32 $0x2;
	s21 =	simm.s32 $0x1380  }
0x8: {  	s22 =	simm.s32 $0x2700;
	s23 =	simm.s32 $0x2780;
	[smem:$0x7FF] =	sst s4  }
0x9: {  	s8 =	smul.u32 $0x14000, s1;
	s10 =	sand.u32 $0x1, s5;
	s5 =	sadd.s32 $0x19000, s7  }
0xa: {  	s6 =	sadd.s32 $0x5000, s7;
	s12 =	smul.u32 $0x50000, s1;
	s31 =	sshll.u32 s1, $0x6  }
0xb: {  	_ =	strace $0x80000047;
	s9 =	smul.u32 $0x140000, s10;
	s30 =	ssub.s32 $0x2, s10  }
0xc: {  	s10 =	smul.u32 $0x50000, s10;
	s11 =	sshrl.u32 s8, $0x3;
	s13 =	sshrl.u32 s30, $0x1  }
0xd: {  	s12 =	sshrl.u32 s12, $0x2;
	s11 =	sadd.s32 s11, s7;
	s8 =	sadd.s32 s8, s9  }
0xe: {  	s13 =	ssub.s32 s30, s13;
	s15 =	sadd.s32 s12, s3;
	s9 =	sor.u32 $0x1C03, s31  }
0xf: {  	s8 =	sshrl.u32 s8, $0x3;
	s12 =	smax.u32 s13, $0x1;
	s13 =	sshrl.u32 s15, $0x3  }
0x10: {  	s15 =	simm.s32 $0x1400;
	s14 =	sadd.s32 s8, s7;
	s7 =	sadd.s32 $0x67200, s11  }
0x11: {  	s8 =	smul.u32 $0xA0, s1;
	s11 =	sadd.s32 $0x8F200, s14;
	s14 =	simm.s32 $0x3  }
.LBB2_1:
0x12: {  	[spmem:s13], [sflag:s9] =	dma.local [hbm:s7], $0x2800  }
0x13: {  	_ =	swait.ge [sflag:s14], $0x2800  }
0x14: {  	[sflag:s14] =	ssyncset.done $0x0  }
0x15: {  	[sflag:s14] =	ssyncadd.s32 $0xFFFFD800  }
0x16: {  	s24 =	simm.s32 $0x0;
	[bflag:$0x0] =	sbarrier.arrive $0xFFFF  }
.LBB2_2:
0x17: {  	s25 =	smul.u32 $0x28, s24;
	_ =	sdelay $0x1  }
0x18: {  	s25 =	sadd.s32 s8, s25  }
0x19: {  	s26 =	sshll.u32 s25, $0x7  }
0x1a: {  	s26 =	sadd.s32 s10, s26  }
0x1b: {  	s26 =	sshrl.u32 s26, $0x3  }
0x1c: {  	s28 =	simm.s32 $0x0;
	s26 =	sadd.s32 s6, s26  }
0x1d: {  	[tilespmem:s28], [sflag:$0x3] =	stream.linear.gather [hbm4b:s26+s28], $0x1400, $0x38;
	[tilespmem:$0x1E800] =	vst v63  }
0x1e: {  	_ =	swait.ge [sflag:s14], $0x1400  }
0x1f: {  	s25 =	sshll.u32 s25, $0x4;
	[sflag:s14] =	ssyncset.done $0x0  }
0x20: {  	s25 =	sadd.s32 s2, s25;
	[sflag:s14] =	ssyncadd.s32 $0xFFFFEC00  }
0x21: {  	[tilespmem:s15], [sflag:$0x3] =	stream.linear.gather [hbm4b:s25+s28], $0x1400, $0x38;
	[tilespmem:$0x1E800] =	vst v63  }
0x22: {  	_ =	swait.ge [sflag:s14], $0x1400  }
0x23: {  	[sflag:s14] =	ssyncset.done $0x0  }
0x24: {  	[sflag:s14] =	ssyncadd.s32 $0xFFFFEC00  }
0x25: {  	[tilespmem:s17], [sflag:$0x1] =	stream.indirect.gather [hbm4b:s5+s16], $0x80, s28, s16, $0xb8;
	[tilespmem:$0x1E800] =	vst v63  }
0x26: {  	s28 =	simm.s32 $0x80  }
0x27: {  	[tilespmem:s18], [sflag:$0x2] =	stream.indirect.gather [hbm4b:s5+s16], $0x80, s28, s16, $0xb8;
	[tilespmem:$0x1E800] =	vst v63  }
0x28: {  	_ =	swait.ge [sflag:s19], $0x4000  }
0x29: {  	[sflag:s19] =	ssyncset.done $0x0  }
0x2a: {  	s29 =	simm.s32 $0x1400;
	[sflag:s19] =	ssyncadd.s32 $0xFFFFC000  }
0x2b: {  	[spmem:s3] =	stream.indirect.scatter.add.f32 [tilespmem:s17], [sflag:$0x3], $0x80, s29, s16, $0xb8;
	[tilespmem:$0x1E800] =	vst v63  }
0x2c: {  	_ =	swait.ge [sflag:s14], $0x4000  }
0x2d: {  	[sflag:s14] =	ssyncset.done $0x0  }
0x2e: {  	s30 =	simm.s32 $0x100;
	[sflag:s14] =	ssyncadd.s32 $0xFFFFC000  }
0x2f: {  	[tilespmem:s17], [sflag:$0x1] =	stream.indirect.gather [hbm4b:s5+s16], $0x80, s30, s16, $0xb8;
	[tilespmem:$0x1E800] =	vst v63  }
0x30: {  	_ =	swait.ge [sflag:s20], $0x4000  }
0x31: {  	[sflag:s20] =	ssyncset.done $0x0  }
0x32: {  	s31 =	simm.s32 $0x1480;
	[sflag:s20] =	ssyncadd.s32 $0xFFFFC000  }
0x33: {  	[spmem:s3] =	stream.indirect.scatter.add.f32 [tilespmem:s18], [sflag:$0x3], $0x80, s31, s16, $0xb8;
	[tilespmem:$0x1E800] =	vst v63  }
0x34: {  	_ =	swait.ge [sflag:s14], $0x4000  }
0x35: {  	s26 =	simm.s32 $0x800;
	s25 =	simm.s32 $0x100;
	[sflag:s14] =	ssyncset.done $0x0  }
.LBB2_3:
0x36: {  	s28 =	sadd.s32 $0x80, s25  }
0x37: {  	[sflag:s14] =	ssyncadd.s32 $0xFFFFC000;
	s29 =	smov.u32 s26;
	s30 =	sadd.s32 $0x400, s26  }
0x38: {  	[tilespmem:s18], [sflag:$0x2] =	stream.indirect.gather [hbm4b:s5+s16], $0x80, s28, s16, $0xb8;
	[tilespmem:$0x1E800] =	vst v63  }
0x39: {  	p0 =	sne.s32 s26, $0x4800;
	_ =	swait.ge [sflag:s19], $0x4000  }
0x3a: {  	[sflag:s19] =	ssyncset.done $0x0  }
0x3b: {  	s26 =	sadd.s32 $0x1400, s25;
	[sflag:s19] =	ssyncadd.s32 $0xFFFFC000  }
0x3c: {  	[spmem:s3] =	stream.indirect.scatter.add.f32 [tilespmem:s17], [sflag:$0x3], $0x80, s26, s16, $0xb8;
	[tilespmem:$0x1E800] =	vst v63  }
0x3d: {  	_ =	swait.ge [sflag:s14], $0x4000  }
0x3e: {  	[sflag:s14] =	ssyncset.done $0x0  }
0x3f: {  	s26 =	sadd.s32 $0x100, s25;
	[sflag:s14] =	ssyncadd.s32 $0xFFFFC000  }
0x40: {  	[tilespmem:s17], [sflag:$0x1] =	stream.indirect.gather [hbm4b:s5+s16], $0x80, s26, s16, $0xb8;
	[tilespmem:$0x1E800] =	vst v63  }
0x41: {  	_ =	swait.ge [sflag:s20], $0x4000  }
.Ltmp0:
0x42: {  	[sflag:s20] =	ssyncset.done $0x0;
	(pc) =	sbr.rel @p0 .LBB2_3-.Ltmp0, $4  }
0x43: {  	s25 =	sadd.s32 $0x1480, s25;
	[sflag:s20] =	ssyncadd.s32 $0xFFFFC000  }
0x44: {  	[spmem:s3] =	stream.indirect.scatter.add.f32 [tilespmem:s18], [sflag:$0x3], $0x80, s25, s16, $0xb8;
	[tilespmem:$0x1E800] =	vst v63  }
0x45: {  	_ =	swait.ge [sflag:s14], $0x4000  }
0x46: {  	s26 =	smov.u32 s30;
	s25 =	sshra.s32 s29, $0x2;
	[sflag:s14] =	ssyncset.done $0x0  }
0x47: {  	s26 =	sadd.s32 $0x80, s25;
	[sflag:s14] =	ssyncadd.s32 $0xFFFFC000  }
0x48: {  	[tilespmem:s18], [sflag:$0x2] =	stream.indirect.gather [hbm4b:s5+s16], $0x80, s26, s16, $0xb8;
	[tilespmem:$0x1E800] =	vst v63  }
0x49: {  	_ =	swait.ge [sflag:s19], $0x4000  }
0x4a: {  	[sflag:s19] =	ssyncset.done $0x0  }
0x4b: {  	s29 =	sadd.s32 $0x1400, s25;
	[sflag:s19] =	ssyncadd.s32 $0xFFFFC000  }
0x4c: {  	[spmem:s3] =	stream.indirect.scatter.add.f32 [tilespmem:s17], [sflag:$0x3], $0x80, s29, s16, $0xb8;
	[tilespmem:$0x1E800] =	vst v63  }
0x4d: {  	_ =	swait.ge [sflag:s14], $0x4000  }
0x4e: {  	[sflag:s14] =	ssyncset.done $0x0  }
0x4f: {  	s30 =	sadd.s32 $0x100, s25;
	[sflag:s14] =	ssyncadd.s32 $0xFFFFC000  }
0x50: {  	[tilespmem:s17], [sflag:$0x1] =	stream.indirect.gather [hbm4b:s5+s16], $0x80, s30, s16, $0xb8;
	[tilespmem:$0x1E800] =	vst v63  }
0x51: {  	_ =	swait.ge [sflag:s20], $0x4000  }
0x52: {  	[sflag:s20] =	ssyncset.done $0x0  }
0x53: {  	s31 =	sadd.s32 $0x1480, s25;
	[sflag:s20] =	ssyncadd.s32 $0xFFFFC000  }
0x54: {  	[spmem:s3] =	stream.indirect.scatter.add.f32 [tilespmem:s18], [sflag:$0x3], $0x80, s31, s16, $0xb8;
	[tilespmem:$0x1E800] =	vst v63  }
0x55: {  	_ =	swait.ge [sflag:s14], $0x4000  }
0x56: {  	[sflag:s14] =	ssyncset.done $0x0  }
0x57: {  	[sflag:s14] =	ssyncadd.s32 $0xFFFFC000  }
0x58: {  	[tilespmem:s18], [sflag:$0x2] =	stream.indirect.gather [hbm4b:s5+s16], $0x80, s21, s16, $0xb8;
	[tilespmem:$0x1E800] =	vst v63  }
0x59: {  	_ =	swait.ge [sflag:s19], $0x4000  }
0x5a: {  	[sflag:s19] =	ssyncset.done $0x0  }
0x5b: {  	[sflag:s19] =	ssyncadd.s32 $0xFFFFC000  }
0x5c: {  	[spmem:s3] =	stream.indirect.scatter.add.f32 [tilespmem:s17], [sflag:$0x3], $0x80, s22, s16, $0xb8;
	[tilespmem:$0x1E800] =	vst v63  }
0x5d: {  	_ =	swait.ge [sflag:s14], $0x4000  }
0x5e: {  	[sflag:s14] =	ssyncset.done $0x0  }
0x5f: {  	[sflag:s14] =	ssyncadd.s32 $0xFFFFC000  }
0x60: {  	s24 =	sadd.s32 $0x1, s24;
	_ =	swait.ge [sflag:s20], $0x4000  }
0x61: {  	p0 =	sne.s32 s24, $0x4;
	[sflag:s20] =	ssyncset.done $0x0  }
.Ltmp1:
0x62: {  	[sflag:s20] =	ssyncadd.s32 $0xFFFFC000;
	(pc) =	sbr.rel @p0 .LBB2_2-.Ltmp1, $4  }
0x63: {  	[spmem:s3] =	stream.indirect.scatter.add.f32 [tilespmem:s18], [sflag:$0x3], $0x80, s23, s16, $0xb8;
	[tilespmem:$0x1E800] =	vst v63  }
0x64: {  	_ =	swait.ge [sflag:s14], $0x4000  }
0x65: {  	[sflag:s14] =	ssyncset.done $0x0  }
0x66: {  	[sflag:s14] =	ssyncadd.s32 $0xFFFFC000  }
0x67: {  	s4 =	sadd.s32 $0x1, s4  }
0x68: {  	p0 =	sne.s32 s4, s12  }
.Ltmp2:
0x69: {  	[bflag:$0x0] =	sbarrier.arrive $0xFFFF;
	(pc) =	sbr.rel @p0 .LBB2_1-.Ltmp2, $4  }
0x6a: {  	[hbm:s11], [sflag:s9] =	dma.local [spmem:s13], $0x2800  }
0x6b: {  	_ =	swait.ge [sflag:s14], $0x2800  }
0x6c: {  	[sflag:s14] =	ssyncset.done $0x0  }
0x6d: {  	[sflag:s14] =	ssyncadd.s32 $0xFFFFD800  }
0x6e: {  	_ =	sfence.sel $0x180000  }
0x6f: {  	[bflag:$0x0] =	sbarrier.arrive $0xFFFF  }
0x70: {  	p0 =	sne.s32 s1, $0x0;
	_ =	strace $0x90000047  }
0x71: {  	s0 =	sadd.s32 @!p0 $0x100000, s0;
	[bflag:$0x2] =	sbarrier.arrive $0xFFFF  }
0x72: {  	[sflag:s0] =	ssyncadd.tile.s32 @!p0 $0x1;
	_ =	shalt  }
.Lfunc_end2:
_tile_overlayer_lowered:
.L_overlay_start_2:
0x73: {  	(tag) =	ssettag $0x2  }
0x74: {  	s0 =	rddreg [dreg:$0x0];
	s2 =	stileid.u32  }
0x75: {  	s1 =	rddreg [dreg:$0x1];
	p0 =	sne.s32 s2, $0x0  }
0x76: {  	s3 =	rddreg [dreg:$0x2];
	[bflag:$0x3] =	sbarrier.arrive $0xFFFF;
	s2 =	simm.s32 @!p0 $0x1C03  }
0x77: {  	[timem:s3], [sflag:s2] =	dma.local @!p0 [hbm:s0], s1  }
0x78: {  	s0 =	simm.s32 @!p0 $0x3  }
0x79: {  	_ =	swait.ge @!p0 [sflag:s0], s1  }
0x7a: {  	s1 =	ssub.s32 @!p0 $0x0, s1;
	[sflag:s0] =	ssyncset.done @!p0 $0x0  }
0x7b: {  	[sflag:s0] =	ssyncadd.s32 @!p0 s1  }
0x7c: {  	[bflag:$0x3] =	sbarrier.arrive $0xFFFF  }
0x7d: {  	_ =	shalt  }

</sc_bundles>
